<compile_context>
chip_gen: v7x
topology: tpu7x:2x2x1
jax: 0.10.2.dev20260603
libtpu: 0.0.44.dev20260713+nightly
codegen_flags: <defaults>
</compile_context>

<pallas_src>
import functools

import jax
import jax.numpy as jnp
from jax import lax
from jax.experimental import pallas as pl
from jax.experimental.pallas import tpu as pltpu
from jax.experimental.pallas import tpu_sc as plsc

NC = 2
NS = 16
NW = NC * NS
CH = 128
C0_FRAC = 0.22
LANES = 16


def _fill(ref, val):
    rows, cols = ref.shape
    nvec = cols // LANES
    v = jnp.full((LANES,), val, jnp.float32)

    def body(i, carry):
        r = i // nvec
        col = (i % nvec) * LANES
        ref[r, pl.ds(col, LANES)] = v
        return carry

    lax.fori_loop(0, rows * nvec, body, 0)


def _mesh():
    return plsc.VectorSubcoreMesh(core_axis_name="c", subcore_axis_name="s",
                                  num_cores=NC, num_subcores=NS)


def _make_sc_feat_sum(n_acc, ng0, ng1, d):
    rows_per_tile = n_acc // NS
    n_groups = max(ng0, ng1)

    @functools.partial(
        pl.kernel,
        out_type=jax.ShapeDtypeStruct((NC, n_acc, d), jnp.float32),
        mesh=_mesh(),
        scratch_types=[
            pltpu.VMEM((2, 2, CH), jnp.int32),
            pltpu.VMEM((2, 2, CH), jnp.int32),
            pltpu.VMEM((CH, d), jnp.float32),
            pltpu.VMEM((CH, d), jnp.float32),
            pltpu.VMEM_SHARED((n_acc, d), jnp.float32),
            pltpu.SemaphoreType.DMA,
            pltpu.SemaphoreType.DMA,
            pltpu.SemaphoreType.DMA,
            pltpu.SemaphoreType.DMA,
            pltpu.SemaphoreType.DMA,
        ],
    )
    def sc_feat_sum(feat_hbm, srcs_hbm, dsts_hbm, acc_out,
                    src_v, dst_v, rbuf0, rbuf1, acc_sp,
                    semg0, semg1, sems0, sems1, sem_idx):
        c = lax.axis_index("c")
        s = lax.axis_index("s")
        w = c * NS + s
        ngc = lax.select(c == 0, jnp.int32(ng0), jnp.int32(ng1))
        base = pl.multiple_of(s * rows_per_tile, 8)

        _fill(rbuf0, 0.0)
        n_full = rows_per_tile // CH
        rem = rows_per_tile - n_full * CH
        for k in range(n_full):
            pltpu.sync_copy(rbuf0, acc_sp.at[pl.ds(base + k * CH, CH)])
        if rem:
            pltpu.sync_copy(rbuf0.at[pl.ds(0, rem)],
                            acc_sp.at[pl.ds(base + n_full * CH, rem)])

        plsc.subcore_barrier()

        H = CH // 2

        def gather2(slot, k, rbuf, sem):
            pltpu.async_copy(feat_hbm.at[src_v.at[slot, k, pl.ds(0, H)]],
                             rbuf.at[pl.ds(0, H)], sem)
            pltpu.async_copy(feat_hbm.at[src_v.at[slot, k, pl.ds(H, H)]],
                             rbuf.at[pl.ds(H, H)], sem)

        def gather2_wait(slot, k, rbuf, sem):
            pltpu.make_async_copy(feat_hbm.at[src_v.at[slot, k, pl.ds(0, H)]],
                                  rbuf.at[pl.ds(0, H)], sem).wait()
            pltpu.make_async_copy(feat_hbm.at[src_v.at[slot, k, pl.ds(H, H)]],
                                  rbuf.at[pl.ds(H, H)], sem).wait()

        pltpu.sync_copy(srcs_hbm.at[w * n_groups], src_v.at[0])
        pltpu.sync_copy(dsts_hbm.at[w * n_groups], dst_v.at[0])
        gather2(0, 0, rbuf0, semg0)
        gather2(0, 1, rbuf1, semg1)

        def body(g, carry):
            slot = g % 2
            nxt = (g + 1) % 2
            have_next = g + 1 < ngc

            @pl.when(have_next)
            def _():
                pltpu.async_copy(srcs_hbm.at[w * n_groups + g + 1],
                                 src_v.at[nxt], sem_idx)
                pltpu.async_copy(dsts_hbm.at[w * n_groups + g + 1],
                                 dst_v.at[nxt], sem_idx)

            gather2_wait(slot, 0, rbuf0, semg0)
            pltpu.async_copy(rbuf0, acc_sp.at[dst_v.at[slot, 0]], sems0,
                             add=True)
            gather2_wait(slot, 1, rbuf1, semg1)
            pltpu.async_copy(rbuf1, acc_sp.at[dst_v.at[slot, 1]], sems1,
                             add=True)

            @pl.when(have_next)
            def _():
                pltpu.make_async_copy(srcs_hbm.at[w * n_groups + g + 1],
                                      src_v.at[nxt], sem_idx).wait()
                pltpu.make_async_copy(dsts_hbm.at[w * n_groups + g + 1],
                                      dst_v.at[nxt], sem_idx).wait()
                pltpu.make_async_copy(rbuf0, acc_sp.at[dst_v.at[slot, 0]],
                                      sems0).wait()
                gather2(nxt, 0, rbuf0, semg0)
                pltpu.make_async_copy(rbuf1, acc_sp.at[dst_v.at[slot, 1]],
                                      sems1).wait()
                gather2(nxt, 1, rbuf1, semg1)

            @pl.when(jnp.logical_not(have_next))
            def _():
                pltpu.make_async_copy(rbuf0, acc_sp.at[dst_v.at[slot, 0]],
                                      sems0).wait()
                pltpu.make_async_copy(rbuf1, acc_sp.at[dst_v.at[slot, 1]],
                                      sems1).wait()
            return carry

        lax.fori_loop(0, ngc, body, 0)

        plsc.subcore_barrier()

        pltpu.sync_copy(acc_sp.at[pl.ds(base, rows_per_tile)],
                        acc_out.at[c, pl.ds(base, rows_per_tile)])

    return sc_feat_sum


def _make_sc_degree(n_deg, ept):
    cols_per_tile = n_deg // NS

    @functools.partial(
        pl.kernel,
        out_type=jax.ShapeDtypeStruct((NC, n_deg), jnp.float32),
        mesh=_mesh(),
        compiler_params=pltpu.CompilerParams(needs_layout_passes=False),
        scratch_types=[
            pltpu.VMEM((ept,), jnp.int32),
            pltpu.VMEM((n_deg,), jnp.float32),
            pltpu.VMEM((NS, n_deg // NS), jnp.float32),
            pltpu.VMEM((n_deg // NS,), jnp.float32),
            pltpu.VMEM_SHARED((NS, n_deg), jnp.float32),
        ],
    )
    def sc_degree(dsts_hbm, deg_out, dst_v, hist_v, red_v, out_v, stage_sp):
        c = lax.axis_index("c")
        s = lax.axis_index("s")
        w = c * NS + s
        zero16 = jnp.zeros((LANES,), jnp.float32)
        one16 = jnp.ones((LANES,), jnp.float32)

        def zbody(i, carry):
            hist_v[pl.ds(i * LANES, LANES)] = zero16
            return carry

        lax.fori_loop(0, n_deg // LANES, zbody, 0)

        pltpu.sync_copy(dsts_hbm.at[w], dst_v)

        def hbody(i, carry):
            idx16 = dst_v[pl.ds(i * LANES, LANES)]
            plsc.addupdate_scatter(hist_v, [idx16], one16)
            return carry

        lax.fori_loop(0, ept // LANES, hbody, 0)

        pltpu.sync_copy(hist_v, stage_sp.at[s])
        plsc.subcore_barrier()

        base = pl.multiple_of(s * cols_per_tile, 8)
        pltpu.sync_copy(stage_sp.at[:, pl.ds(base, cols_per_tile)], red_v)

        def rbody(j, carry):
            v = red_v[0, pl.ds(j * LANES, LANES)]
            for t in range(1, NS):
                v = v + red_v[t, pl.ds(j * LANES, LANES)]
            out_v[pl.ds(j * LANES, LANES)] = v
            return carry

        lax.fori_loop(0, cols_per_tile // LANES, rbody, 0)

        pltpu.sync_copy(out_v, deg_out.at[c, pl.ds(base, cols_per_tile)])

    return sc_degree


def _tc_body(eps_ref, acc_ref, deg_ref, feat_ref, w1_ref, b1_ref, w2_ref,
             b2_ref, out_ref):
    summed = acc_ref[0] + acc_ref[1]
    deg = (deg_ref[0] + deg_ref[1])[:, None]
    neigh = summed / jnp.maximum(deg, 1.0)
    rst = (1.0 + eps_ref[0]) * feat_ref[...] + neigh
    h = jnp.dot(rst, w1_ref[...], preferred_element_type=jnp.float32)
    h = jnp.maximum(h + b1_ref[...], 0.0)
    o = jnp.dot(h, w2_ref[...], preferred_element_type=jnp.float32)
    out_ref[...] = jnp.maximum(o + b2_ref[...], 0.0)


def kernel(feat, edge_index, eps, W1, b1, W2, b2):
    n, d = feat.shape
    e = edge_index.shape[1]
    d_hid = W1.shape[1]
    d_out = W2.shape[1]

    n_acc = -(-(n + 1) // (NS * 8)) * (NS * 8)

    src = edge_index[0].astype(jnp.int32)
    dst = edge_index[1].astype(jnp.int32)

    def pack_half(a, fill_fn, ng_pad):
        e_c = a.shape[0]
        ept_c = -(-e_c // (NS * 2 * CH)) * (2 * CH)
        ng_c = ept_c // (2 * CH)
        a = jnp.concatenate([a, fill_fn(NS * ept_c - e_c)])
        a = a.reshape(NS, ng_c, 2, CH)
        return jnp.pad(a, ((0, 0), (0, ng_pad - ng_c), (0, 0), (0, 0)))

    def zeros_fill(m):
        return jnp.zeros((m,), jnp.int32)

    def spread_fill(m):
        return n + (jnp.arange(m, dtype=jnp.int32) % (n_acc - n))

    e0 = int(e * C0_FRAC) & ~255
    ng0 = -(-max(e0, 1) // (NS * 2 * CH))
    ng1 = -(-max(e - e0, 1) // (NS * 2 * CH))
    ng_max = max(ng0, ng1)
    src_u0 = pack_half(src[:e0], zeros_fill, ng_max)
    src_u1 = pack_half(src[e0:] + n, zeros_fill, ng_max)
    dst_u0 = pack_half(dst[:e0], spread_fill, ng_max)
    dst_u1 = pack_half(dst[e0:], spread_fill, ng_max)
    src_u = jnp.concatenate([src_u0, src_u1]).reshape(NW * ng_max, 2, CH)
    dst_u = jnp.concatenate([dst_u0, dst_u1]).reshape(NW * ng_max, 2, CH)

    ept = -(-e // (NW * 2 * CH)) * (2 * CH)
    e_pad = ept * NW
    n_deg = -(-(n + 1) // (NS * LANES)) * (NS * LANES)
    dst_d = jnp.concatenate(
        [dst, jnp.full((e_pad - e,), n, jnp.int32)]).reshape(NW, ept)

    feat2 = jnp.concatenate([feat, feat], axis=0)

    acc = _make_sc_feat_sum(n_acc, ng0, ng1, d)(feat2, src_u, dst_u)
    deg = _make_sc_degree(n_deg, ept)(dst_d)

    blk = 512
    grid = -(-n // blk)
    out = pl.pallas_call(
        _tc_body,
        grid=(grid,),
        in_specs=[
            pl.BlockSpec(memory_space=pltpu.SMEM),
            pl.BlockSpec((NC, blk, d), lambda i: (0, i, 0)),
            pl.BlockSpec((NC, blk), lambda i: (0, i)),
            pl.BlockSpec((blk, d), lambda i: (i, 0)),
            pl.BlockSpec((d, d_hid), lambda i: (0, 0)),
            pl.BlockSpec((1, d_hid), lambda i: (0, 0)),
            pl.BlockSpec((d_hid, d_out), lambda i: (0, 0)),
            pl.BlockSpec((1, d_out), lambda i: (0, 0)),
        ],
        out_specs=pl.BlockSpec((blk, d_out), lambda i: (i, 0)),
        out_shape=jax.ShapeDtypeStruct((n, d_out), jnp.float32),
    )(eps, acc, deg, feat, W1, b1.reshape(1, d_hid), W2, b2.reshape(1, d_out))
    return out

# --- scband reference (transcript-rebuilt; emitter-appended) ---
"""Pipeline reference for scband-ginconv-77214922048104 (READ-ONLY COPY).

The authoritative reference and input builder live on the scoring server;
editing this copy changes nothing except your own understanding.
"""

import jax, jax.numpy as jnp
import numpy as np

N_NODES = 10000
N_EDGES = 320000
D_IN = 128
D_HID = 256  # 2 * in_feats per MLP
D_OUT = 128


def setup_inputs(seed: int = 0) -> dict:
    key = jax.random.key(seed)
    k_x, k_e, k_w1, k_w2 = jax.random.split(key, 4)
    x = jax.random.normal(k_x, (N_NODES, D_IN), dtype=jnp.float32)
    edge_index = jax.random.randint(k_e, (2, N_EDGES), 0, N_NODES, dtype=jnp.int64)
    # learned parameters
    eps = jnp.zeros((1,), dtype=jnp.float32)  # init_eps = 0, learnable
    W1 = jax.random.normal(k_w1, (D_IN, D_HID), dtype=jnp.float32) * 0.05
    b1 = jnp.zeros((D_HID,), dtype=jnp.float32)
    W2 = jax.random.normal(k_w2, (D_HID, D_OUT), dtype=jnp.float32) * 0.05
    b2 = jnp.zeros((D_OUT,), dtype=jnp.float32)
    return {"feat": x, "edge_index": edge_index, "eps": eps,
            "W1": W1, "b1": b1, "W2": W2, "b2": b2}


def reference(feat, edge_index, eps, W1, b1, W2, b2):
    src = edge_index[0]
    dst = edge_index[1]
    # message passing: copy_u + mean aggregation over incoming edges
    msg = jnp.take(feat, src, axis=0)                        # gather  [E, D]
    summed = jax.ops.segment_sum(msg, dst, num_segments=N_NODES)   # scatter-add
    deg = jax.ops.segment_sum(jnp.ones((N_EDGES,), dtype=feat.dtype), dst,
                              num_segments=N_NODES)
    neigh = summed / jnp.maximum(deg, 1.0)[:, None]
    rst = (1.0 + eps) * feat + neigh
    # apply_func: MLP with n_layers=2, hidden=2*in_feats, relu activations
    h = jax.nn.relu(rst @ W1 + b1)
    h = h @ W2 + b2
    h = jnp.squeeze(h, axis=-1) if h.shape[-1] == 1 else h   # .squeeze(-1) is a no-op here
    h = jax.nn.relu(h)
    return h

if __name__ == "__main__":
    import jax
    _d = setup_inputs()
    print(jax.jit(kernel)(*tuple(_d.values())))

</pallas_src>

<mosaic_0001>
#map = affine_map<(d0, d1) -> (0, 0)>
module attributes {stable_mosaic.version = 14 : i64} {
  func.func @sc_degree(%arg0: i32, %arg1: i32, %arg2: memref<32x10240xi32, #tpu.memory_space<hbm>>, %arg3: memref<2x10240xf32, #tpu.memory_space<hbm>>, %arg4: memref<10240xi32, #tpu.memory_space<vmem>>, %arg5: memref<10240xf32, #tpu.memory_space<vmem>>, %arg6: memref<16x640xf32, #tpu.memory_space<vmem>>, %arg7: memref<640xf32, #tpu.memory_space<vmem>>, %arg8: memref<16x10240xf32, #tpu.memory_space<vmem_shared>>) attributes {dimension_semantics = [#tpu.dimension_semantics<core_parallel>, #tpu.dimension_semantics<subcore_parallel>], iteration_bounds = array<i64: 2, 16>, scalar_prefetch = 0 : i64, scratch_operands = 5 : i64, tpu.core_type = #tpu.core_type<sc_vector_subcore>, window_params = [{transform_indices = #map}, {transform_indices = #map}]} {
    %mul3A = arith.constant 16 : i32
    %mul3A_0 = arith.muli %arg0, %mul3A : i32
    %add3A = arith.addi %mul3A_0, %arg1 : i32
    %broadcast_in_dim3A = arith.constant 0.000000e+00 : f32
    %broadcast_in_dim3A_1 = vector.broadcast %broadcast_in_dim3A : f32 to vector<16xf32>
    %broadcast_in_dim3A_2 = arith.constant 1.000000e+00 : f32
    %broadcast_in_dim3A_3 = vector.broadcast %broadcast_in_dim3A_2 : f32 to vector<16xf32>
    %scan3A = arith.constant 0 : i32
    %scan3A_4 = arith.constant 0 : i32
    %scan3A_5 = arith.constant 640 : i32
    %scan3A_6 = arith.addi %scan3A_4, %scan3A_5 : i32
    %scan3A_7 = arith.constant 1 : i32
    scf.for %scan3A_23 = %scan3A_4 to %scan3A_6 step %scan3A_7  : i32 {
      %mul3A_24 = arith.constant 16 : i32
      %mul3A_25 = arith.muli %scan3A_23, %mul3A_24 : i32
      %swap3A = arith.index_cast %mul3A_25 : i32 to index
      %swap3A_26 = tpu.vector_load %arg5[%swap3A] {strides = array<i32>} : memref<10240xf32, #tpu.memory_space<vmem>>, vector<16xf32>,
      tpu.vector_store %arg5[%swap3A], %broadcast_in_dim3A_1 {strides = array<i32>} : memref<10240xf32, #tpu.memory_space<vmem>>, vector<16xf32>,
    }
    %scan3A_8 = arith.constant 640 : i32
    "tpu.region"() ({
      %run_scoped3A = tpu.sem_alloc : memref<!tpu.dma_semaphore, #tpu.memory_space<semaphore_mem>>
      %dma_start3A = arith.constant 0 : i32
      %dma_start3A_23 = tpu.memref_slice %arg2[%add3A, %dma_start3A] : memref<32x10240xi32, #tpu.memory_space<hbm>> -> memref<1x10240xi32, #tpu.memory_space<hbm>>
      %dma_start3A_24 = tpu.memref_squeeze %dma_start3A_23 : memref<1x10240xi32, #tpu.memory_space<hbm>> -> memref<10240xi32, #tpu.memory_space<hbm>>
      %dma_start3A_25 = arith.constant 0 : i32
      %dma_start3A_26 = tpu.memref_slice %arg2[%add3A, %dma_start3A_25] : memref<32x10240xi32, #tpu.memory_space<hbm>> -> memref<1x10240xi32, #tpu.memory_space<hbm>>
      %dma_start3A_27 = tpu.memref_squeeze %dma_start3A_26 : memref<1x10240xi32, #tpu.memory_space<hbm>> -> memref<10240xi32, #tpu.memory_space<hbm>>
      tpu.enqueue_dma source(%dma_start3A_27 : memref<10240xi32, #tpu.memory_space<hbm>>) target(%arg4 : memref<10240xi32, #tpu.memory_space<vmem>>) target_semaphore(%run_scoped3A : memref<!tpu.dma_semaphore, #tpu.memory_space<semaphore_mem>>)
      %dma_wait3A = arith.constant 0 : i32
      %dma_wait3A_28 = tpu.memref_slice %arg2[%add3A, %dma_wait3A] : memref<32x10240xi32, #tpu.memory_space<hbm>> -> memref<1x10240xi32, #tpu.memory_space<hbm>>
      %dma_wait3A_29 = tpu.memref_squeeze %dma_wait3A_28 : memref<1x10240xi32, #tpu.memory_space<hbm>> -> memref<10240xi32, #tpu.memory_space<hbm>>
      %dma_wait3A_30 = arith.constant 0 : i32
      %dma_wait3A_31 = tpu.memref_slice %arg2[%add3A, %dma_wait3A_30] : memref<32x10240xi32, #tpu.memory_space<hbm>> -> memref<1x10240xi32, #tpu.memory_space<hbm>>
      %dma_wait3A_32 = tpu.memref_squeeze %dma_wait3A_31 : memref<1x10240xi32, #tpu.memory_space<hbm>> -> memref<10240xi32, #tpu.memory_space<hbm>>
      tpu.wait_dma2 semaphore(%run_scoped3A : memref<!tpu.dma_semaphore, #tpu.memory_space<semaphore_mem>>) src(%dma_wait3A_32 : memref<10240xi32, #tpu.memory_space<hbm>>) dst(%arg4 : memref<10240xi32, #tpu.memory_space<vmem>>)
      tpu.yield
    }) : () -> ()
    %scan3A_9 = arith.constant 0 : i32
    %scan3A_10 = arith.constant 0 : i32
    %scan3A_11 = arith.constant 640 : i32
    %scan3A_12 = arith.addi %scan3A_10, %scan3A_11 : i32
    %scan3A_13 = arith.constant 1 : i32
    scf.for %scan3A_23 = %scan3A_10 to %scan3A_12 step %scan3A_13  : i32 {
      %mul3A_24 = arith.constant 16 : i32
      %mul3A_25 = arith.muli %scan3A_23, %mul3A_24 : i32
      %get3A = arith.index_cast %mul3A_25 : i32 to index
      %get3A_26 = tpu.vector_load %arg4[%get3A] {strides = array<i32>} : memref<10240xi32, #tpu.memory_space<vmem>>, vector<16xi32>,
      tpu.vector_store_idx %arg5[%get3A_26], %broadcast_in_dim3A_3 {add = true} : memref<10240xf32, #tpu.memory_space<vmem>>[vector<16xi32>], vector<16xf32>,
    }
    %scan3A_14 = arith.constant 640 : i32
    "tpu.region"() ({
      %run_scoped3A = tpu.sem_alloc : memref<!tpu.dma_semaphore, #tpu.memory_space<semaphore_mem>>
      %dma_start3A = arith.constant 0 : i32
      %dma_start3A_23 = tpu.memref_slice %arg8[%arg1, %dma_start3A] : memref<16x10240xf32, #tpu.memory_space<vmem_shared>> -> memref<1x10240xf32, #tpu.memory_space<vmem_shared>>
      %dma_start3A_24 = tpu.memref_squeeze %dma_start3A_23 : memref<1x10240xf32, #tpu.memory_space<vmem_shared>> -> memref<10240xf32, #tpu.memory_space<vmem_shared>>
      %dma_start3A_25 = arith.constant 0 : i32
      %dma_start3A_26 = tpu.memref_slice %arg8[%arg1, %dma_start3A_25] : memref<16x10240xf32, #tpu.memory_space<vmem_shared>> -> memref<1x10240xf32, #tpu.memory_space<vmem_shared>>
      %dma_start3A_27 = tpu.memref_squeeze %dma_start3A_26 : memref<1x10240xf32, #tpu.memory_space<vmem_shared>> -> memref<10240xf32, #tpu.memory_space<vmem_shared>>
      tpu.enqueue_dma source(%arg5 : memref<10240xf32, #tpu.memory_space<vmem>>) target(%dma_start3A_27 : memref<10240xf32, #tpu.memory_space<vmem_shared>>) target_semaphore(%run_scoped3A : memref<!tpu.dma_semaphore, #tpu.memory_space<semaphore_mem>>)
      %dma_wait3A = arith.constant 0 : i32
      %dma_wait3A_28 = tpu.memref_slice %arg8[%arg1, %dma_wait3A] : memref<16x10240xf32, #tpu.memory_space<vmem_shared>> -> memref<1x10240xf32, #tpu.memory_space<vmem_shared>>
      %dma_wait3A_29 = tpu.memref_squeeze %dma_wait3A_28 : memref<1x10240xf32, #tpu.memory_space<vmem_shared>> -> memref<10240xf32, #tpu.memory_space<vmem_shared>>
      %dma_wait3A_30 = arith.constant 0 : i32
      %dma_wait3A_31 = tpu.memref_slice %arg8[%arg1, %dma_wait3A_30] : memref<16x10240xf32, #tpu.memory_space<vmem_shared>> -> memref<1x10240xf32, #tpu.memory_space<vmem_shared>>
      %dma_wait3A_32 = tpu.memref_squeeze %dma_wait3A_31 : memref<1x10240xf32, #tpu.memory_space<vmem_shared>> -> memref<10240xf32, #tpu.memory_space<vmem_shared>>
      tpu.wait_dma2 semaphore(%run_scoped3A : memref<!tpu.dma_semaphore, #tpu.memory_space<semaphore_mem>>) src(%arg5 : memref<10240xf32, #tpu.memory_space<vmem>>) dst(%dma_wait3A_32 : memref<10240xf32, #tpu.memory_space<vmem_shared>>)
      tpu.yield
    }) : () -> ()
    %barrier3A = arith.constant 0 : index
    tpu.barrier barrier_id(%barrier3A)
    %mul3A_15 = arith.constant 640 : i32
    %mul3A_16 = arith.muli %arg1, %mul3A_15 : i32
    %multiple_of3A = tpu.assume_multiple %mul3A_16, 8 : i32
    "tpu.region"() ({
      %run_scoped3A = tpu.sem_alloc : memref<!tpu.dma_semaphore, #tpu.memory_space<semaphore_mem>>
      %dma_start3A = arith.constant 0 : i32
      %dma_start3A_23 = tpu.memref_slice %arg8[%dma_start3A, %multiple_of3A] : memref<16x10240xf32, #tpu.memory_space<vmem_shared>> -> memref<16x640xf32, #tpu.memory_space<vmem_shared>>
      %dma_start3A_24 = arith.constant 0 : i32
      %dma_start3A_25 = tpu.memref_slice %arg8[%dma_start3A_24, %multiple_of3A] : memref<16x10240xf32, #tpu.memory_space<vmem_shared>> -> memref<16x640xf32, #tpu.memory_space<vmem_shared>>
      tpu.enqueue_dma source(%dma_start3A_25 : memref<16x640xf32, #tpu.memory_space<vmem_shared>>) target(%arg6 : memref<16x640xf32, #tpu.memory_space<vmem>>) target_semaphore(%run_scoped3A : memref<!tpu.dma_semaphore, #tpu.memory_space<semaphore_mem>>)
      %dma_wait3A = arith.constant 0 : i32
      %dma_wait3A_26 = tpu.memref_slice %arg8[%dma_wait3A, %multiple_of3A] : memref<16x10240xf32, #tpu.memory_space<vmem_shared>> -> memref<16x640xf32, #tpu.memory_space<vmem_shared>>
      %dma_wait3A_27 = arith.constant 0 : i32
      %dma_wait3A_28 = tpu.memref_slice %arg8[%dma_wait3A_27, %multiple_of3A] : memref<16x10240xf32, #tpu.memory_space<vmem_shared>> -> memref<16x640xf32, #tpu.memory_space<vmem_shared>>
      tpu.wait_dma2 semaphore(%run_scoped3A : memref<!tpu.dma_semaphore, #tpu.memory_space<semaphore_mem>>) src(%dma_wait3A_28 : memref<16x640xf32, #tpu.memory_space<vmem_shared>>) dst(%arg6 : memref<16x640xf32, #tpu.memory_space<vmem>>)
      tpu.yield
    }) : () -> ()
    %scan3A_17 = arith.constant 0 : i32
    %scan3A_18 = arith.constant 0 : i32
    %scan3A_19 = arith.constant 40 : i32
    %scan3A_20 = arith.addi %scan3A_18, %scan3A_19 : i32
    %scan3A_21 = arith.constant 1 : i32
    scf.for %scan3A_23 = %scan3A_18 to %scan3A_20 step %scan3A_21  : i32 {
      %mul3A_24 = arith.constant 16 : i32
      %mul3A_25 = arith.muli %scan3A_23, %mul3A_24 : i32
      %get3A = arith.constant 0 : i32
      %get3A_26 = arith.index_cast %get3A : i32 to index
      %get3A_27 = arith.index_cast %mul3A_25 : i32 to index
      %get3A_28 = tpu.vector_load %arg6[%get3A_26, %get3A_27] {strides = array<i32>} : memref<16x640xf32, #tpu.memory_space<vmem>>, vector<16xf32>,
      %mul3A_29 = arith.constant 16 : i32
      %mul3A_30 = arith.muli %scan3A_23, %mul3A_29 : i32
      %get3A_31 = arith.constant 1 : i32
      %get3A_32 = arith.index_cast %get3A_31 : i32 to index
      %get3A_33 = arith.index_cast %mul3A_30 : i32 to index
      %get3A_34 = tpu.vector_load %arg6[%get3A_32, %get3A_33] {strides = array<i32>} : memref<16x640xf32, #tpu.memory_space<vmem>>, vector<16xf32>,
      %add3A_35 = arith.addf %get3A_28, %get3A_34 : vector<16xf32>
      %mul3A_36 = arith.constant 16 : i32
      %mul3A_37 = arith.muli %scan3A_23, %mul3A_36 : i32
      %get3A_38 = arith.constant 2 : i32
      %get3A_39 = arith.index_cast %get3A_38 : i32 to index
      %get3A_40 = arith.index_cast %mul3A_37 : i32 to index
      %get3A_41 = tpu.vector_load %arg6[%get3A_39, %get3A_40] {strides = array<i32>} : memref<16x640xf32, #tpu.memory_space<vmem>>, vector<16xf32>,
      %add3A_42 = arith.addf %add3A_35, %get3A_41 : vector<16xf32>
      %mul3A_43 = arith.constant 16 : i32
      %mul3A_44 = arith.muli %scan3A_23, %mul3A_43 : i32
      %get3A_45 = arith.constant 3 : i32
      %get3A_46 = arith.index_cast %get3A_45 : i32 to index
      %get3A_47 = arith.index_cast %mul3A_44 : i32 to index
      %get3A_48 = tpu.vector_load %arg6[%get3A_46, %get3A_47] {strides = array<i32>} : memref<16x640xf32, #tpu.memory_space<vmem>>, vector<16xf32>,
      %add3A_49 = arith.addf %add3A_42, %get3A_48 : vector<16xf32>
      %mul3A_50 = arith.constant 16 : i32
      %mul3A_51 = arith.muli %scan3A_23, %mul3A_50 : i32
      %get3A_52 = arith.constant 4 : i32
      %get3A_53 = arith.index_cast %get3A_52 : i32 to index
      %get3A_54 = arith.index_cast %mul3A_51 : i32 to index
      %get3A_55 = tpu.vector_load %arg6[%get3A_53, %get3A_54] {strides = array<i32>} : memref<16x640xf32, #tpu.memory_space<vmem>>, vector<16xf32>,
      %add3A_56 = arith.addf %add3A_49, %get3A_55 : vector<16xf32>
      %mul3A_57 = arith.constant 16 : i32
      %mul3A_58 = arith.muli %scan3A_23, %mul3A_57 : i32
      %get3A_59 = arith.constant 5 : i32
      %get3A_60 = arith.index_cast %get3A_59 : i32 to index
      %get3A_61 = arith.index_cast %mul3A_58 : i32 to index
      %get3A_62 = tpu.vector_load %arg6[%get3A_60, %get3A_61] {strides = array<i32>} : memref<16x640xf32, #tpu.memory_space<vmem>>, vector<16xf32>,
      %add3A_63 = arith.addf %add3A_56, %get3A_62 : vector<16xf32>
      %mul3A_64 = arith.constant 16 : i32
      %mul3A_65 = arith.muli %scan3A_23, %mul3A_64 : i32
      %get3A_66 = arith.constant 6 : i32
      %get3A_67 = arith.index_cast %get3A_66 : i32 to index
      %get3A_68 = arith.index_cast %mul3A_65 : i32 to index
      %get3A_69 = tpu.vector_load %arg6[%get3A_67, %get3A_68] {strides = array<i32>} : memref<16x640xf32, #tpu.memory_space<vmem>>, vector<16xf32>,
      %add3A_70 = arith.addf %add3A_63, %get3A_69 : vector<16xf32>
      %mul3A_71 = arith.constant 16 : i32
      %mul3A_72 = arith.muli %scan3A_23, %mul3A_71 : i32
      %get3A_73 = arith.constant 7 : i32
      %get3A_74 = arith.index_cast %get3A_73 : i32 to index
      %get3A_75 = arith.index_cast %mul3A_72 : i32 to index
      %get3A_76 = tpu.vector_load %arg6[%get3A_74, %get3A_75] {strides = array<i32>} : memref<16x640xf32, #tpu.memory_space<vmem>>, vector<16xf32>,
      %add3A_77 = arith.addf %add3A_70, %get3A_76 : vector<16xf32>
      %mul3A_78 = arith.constant 16 : i32
      %mul3A_79 = arith.muli %scan3A_23, %mul3A_78 : i32
      %get3A_80 = arith.constant 8 : i32
      %get3A_81 = arith.index_cast %get3A_80 : i32 to index
      %get3A_82 = arith.index_cast %mul3A_79 : i32 to index
      %get3A_83 = tpu.vector_load %arg6[%get3A_81, %get3A_82] {strides = array<i32>} : memref<16x640xf32, #tpu.memory_space<vmem>>, vector<16xf32>,
      %add3A_84 = arith.addf %add3A_77, %get3A_83 : vector<16xf32>
      %mul3A_85 = arith.constant 16 : i32
      %mul3A_86 = arith.muli %scan3A_23, %mul3A_85 : i32
      %get3A_87 = arith.constant 9 : i32
      %get3A_88 = arith.index_cast %get3A_87 : i32 to index
      %get3A_89 = arith.index_cast %mul3A_86 : i32 to index
      %get3A_90 = tpu.vector_load %arg6[%get3A_88, %get3A_89] {strides = array<i32>} : memref<16x640xf32, #tpu.memory_space<vmem>>, vector<16xf32>,
      %add3A_91 = arith.addf %add3A_84, %get3A_90 : vector<16xf32>
      %mul3A_92 = arith.constant 16 : i32
      %mul3A_93 = arith.muli %scan3A_23, %mul3A_92 : i32
      %get3A_94 = arith.constant 10 : i32
      %get3A_95 = arith.index_cast %get3A_94 : i32 to index
      %get3A_96 = arith.index_cast %mul3A_93 : i32 to index
      %get3A_97 = tpu.vector_load %arg6[%get3A_95, %get3A_96] {strides = array<i32>} : memref<16x640xf32, #tpu.memory_space<vmem>>, vector<16xf32>,
      %add3A_98 = arith.addf %add3A_91, %get3A_97 : vector<16xf32>
      %mul3A_99 = arith.constant 16 : i32
      %mul3A_100 = arith.muli %scan3A_23, %mul3A_99 : i32
      %get3A_101 = arith.constant 11 : i32
      %get3A_102 = arith.index_cast %get3A_101 : i32 to index
      %get3A_103 = arith.index_cast %mul3A_100 : i32 to index
      %get3A_104 = tpu.vector_load %arg6[%get3A_102, %get3A_103] {strides = array<i32>} : memref<16x640xf32, #tpu.memory_space<vmem>>, vector<16xf32>,
      %add3A_105 = arith.addf %add3A_98, %get3A_104 : vector<16xf32>
      %mul3A_106 = arith.constant 16 : i32
      %mul3A_107 = arith.muli %scan3A_23, %mul3A_106 : i32
      %get3A_108 = arith.constant 12 : i32
      %get3A_109 = arith.index_cast %get3A_108 : i32 to index
      %get3A_110 = arith.index_cast %mul3A_107 : i32 to index
      %get3A_111 = tpu.vector_load %arg6[%get3A_109, %get3A_110] {strides = array<i32>} : memref<16x640xf32, #tpu.memory_space<vmem>>, vector<16xf32>,
      %add3A_112 = arith.addf %add3A_105, %get3A_111 : vector<16xf32>
      %mul3A_113 = arith.constant 16 : i32
      %mul3A_114 = arith.muli %scan3A_23, %mul3A_113 : i32
      %get3A_115 = arith.constant 13 : i32
      %get3A_116 = arith.index_cast %get3A_115 : i32 to index
      %get3A_117 = arith.index_cast %mul3A_114 : i32 to index
      %get3A_118 = tpu.vector_load %arg6[%get3A_116, %get3A_117] {strides = array<i32>} : memref<16x640xf32, #tpu.memory_space<vmem>>, vector<16xf32>,
      %add3A_119 = arith.addf %add3A_112, %get3A_118 : vector<16xf32>
      %mul3A_120 = arith.constant 16 : i32
      %mul3A_121 = arith.muli %scan3A_23, %mul3A_120 : i32
      %get3A_122 = arith.constant 14 : i32
      %get3A_123 = arith.index_cast %get3A_122 : i32 to index
      %get3A_124 = arith.index_cast %mul3A_121 : i32 to index
      %get3A_125 = tpu.vector_load %arg6[%get3A_123, %get3A_124] {strides = array<i32>} : memref<16x640xf32, #tpu.memory_space<vmem>>, vector<16xf32>,
      %add3A_126 = arith.addf %add3A_119, %get3A_125 : vector<16xf32>
      %mul3A_127 = arith.constant 16 : i32
      %mul3A_128 = arith.muli %scan3A_23, %mul3A_127 : i32
      %get3A_129 = arith.constant 15 : i32
      %get3A_130 = arith.index_cast %get3A_129 : i32 to index
      %get3A_131 = arith.index_cast %mul3A_128 : i32 to index
      %get3A_132 = tpu.vector_load %arg6[%get3A_130, %get3A_131] {strides = array<i32>} : memref<16x640xf32, #tpu.memory_space<vmem>>, vector<16xf32>,
      %add3A_133 = arith.addf %add3A_126, %get3A_132 : vector<16xf32>
      %mul3A_134 = arith.constant 16 : i32
      %mul3A_135 = arith.muli %scan3A_23, %mul3A_134 : i32
      %swap3A = arith.index_cast %mul3A_135 : i32 to index
      %swap3A_136 = tpu.vector_load %arg7[%swap3A] {strides = array<i32>} : memref<640xf32, #tpu.memory_space<vmem>>, vector<16xf32>,
      tpu.vector_store %arg7[%swap3A], %add3A_133 {strides = array<i32>} : memref<640xf32, #tpu.memory_space<vmem>>, vector<16xf32>,
    }
    %scan3A_22 = arith.constant 40 : i32
    "tpu.region"() ({
      %run_scoped3A = tpu.sem_alloc : memref<!tpu.dma_semaphore, #tpu.memory_space<semaphore_mem>>
      %dma_start3A = tpu.memref_slice %arg3[%arg0, %multiple_of3A] : memref<2x10240xf32, #tpu.memory_space<hbm>> -> memref<1x640xf32, #tpu.memory_space<hbm>>
      %dma_start3A_23 = tpu.memref_squeeze %dma_start3A : memref<1x640xf32, #tpu.memory_space<hbm>> -> memref<640xf32, #tpu.memory_space<hbm>>
      %dma_start3A_24 = tpu.memref_slice %arg3[%arg0, %multiple_of3A] : memref<2x10240xf32, #tpu.memory_space<hbm>> -> memref<1x640xf32, #tpu.memory_space<hbm>>
      %dma_start3A_25 = tpu.memref_squeeze %dma_start3A_24 : memref<1x640xf32, #tpu.memory_space<hbm>> -> memref<640xf32, #tpu.memory_space<hbm>>
      tpu.enqueue_dma source(%arg7 : memref<640xf32, #tpu.memory_space<vmem>>) target(%dma_start3A_25 : memref<640xf32, #tpu.memory_space<hbm>>) target_semaphore(%run_scoped3A : memref<!tpu.dma_semaphore, #tpu.memory_space<semaphore_mem>>)
      %dma_wait3A = tpu.memref_slice %arg3[%arg0, %multiple_of3A] : memref<2x10240xf32, #tpu.memory_space<hbm>> -> memref<1x640xf32, #tpu.memory_space<hbm>>
      %dma_wait3A_26 = tpu.memref_squeeze %dma_wait3A : memref<1x640xf32, #tpu.memory_space<hbm>> -> memref<640xf32, #tpu.memory_space<hbm>>
      %dma_wait3A_27 = tpu.memref_slice %arg3[%arg0, %multiple_of3A] : memref<2x10240xf32, #tpu.memory_space<hbm>> -> memref<1x640xf32, #tpu.memory_space<hbm>>
      %dma_wait3A_28 = tpu.memref_squeeze %dma_wait3A_27 : memref<1x640xf32, #tpu.memory_space<hbm>> -> memref<640xf32, #tpu.memory_space<hbm>>
      tpu.wait_dma2 semaphore(%run_scoped3A : memref<!tpu.dma_semaphore, #tpu.memory_space<semaphore_mem>>) src(%arg7 : memref<640xf32, #tpu.memory_space<vmem>>) dst(%dma_wait3A_28 : memref<640xf32, #tpu.memory_space<hbm>>)
      tpu.yield
    }) : () -> ()
    return
  }
}

#map = affine_map<(d0, d1) -> (0, 0)>
#map1 = affine_map<(d0, d1) -> (0, 0, 0)>
module attributes {stable_mosaic.version = 14 : i64} {
  func.func @sc_feat_sum(%arg0: i32, %arg1: i32, %arg2: memref<20000x128xf32, #tpu.memory_space<hbm>>, %arg3: memref<1952x2x128xi32, #tpu.memory_space<hbm>>, %arg4: memref<1952x2x128xi32, #tpu.memory_space<hbm>>, %arg5: memref<2x10112x128xf32, #tpu.memory_space<hbm>>, %arg6: memref<2x2x128xi32, #tpu.memory_space<vmem>>, %arg7: memref<2x2x128xi32, #tpu.memory_space<vmem>>, %arg8: memref<128x128xf32, #tpu.memory_space<vmem>>, %arg9: memref<128x128xf32, #tpu.memory_space<vmem>>, %arg10: memref<10112x128xf32, #tpu.memory_space<vmem_shared>>, %arg11: memref<!tpu.dma_semaphore, #tpu.memory_space<semaphore_mem>>, %arg12: memref<!tpu.dma_semaphore, #tpu.memory_space<semaphore_mem>>, %arg13: memref<!tpu.dma_semaphore, #tpu.memory_space<semaphore_mem>>, %arg14: memref<!tpu.dma_semaphore, #tpu.memory_space<semaphore_mem>>, %arg15: memref<!tpu.dma_semaphore, #tpu.memory_space<semaphore_mem>>) attributes {dimension_semantics = [#tpu.dimension_semantics<core_parallel>, #tpu.dimension_semantics<subcore_parallel>], iteration_bounds = array<i64: 2, 16>, scalar_prefetch = 0 : i64, scratch_operands = 10 : i64, tpu.core_type = #tpu.core_type<sc_vector_subcore>, window_params = [{transform_indices = #map}, {transform_indices = #map1}, {transform_indices = #map1}, {transform_indices = #map1}]} {
    %mul3A = arith.constant 16 : i32
    %mul3A_0 = arith.muli %arg0, %mul3A : i32
    %add3A = arith.addi %mul3A_0, %arg1 : i32
    %eq3A = arith.constant 0 : i32
    %eq3A_1 = arith.cmpi eq, %arg0, %eq3A : i32
    %select_n3A = arith.constant 61 : i32
    %select_n3A_2 = arith.constant 18 : i32
    %select_n3A_3 = arith.select %eq3A_1, %select_n3A_2, %select_n3A : i32
    %mul3A_4 = arith.constant 632 : i32
    %mul3A_5 = arith.muli %arg1, %mul3A_4 : i32
    %multiple_of3A = tpu.assume_multiple %mul3A_5, 8 : i32
    %broadcast_in_dim3A = arith.constant 0.000000e+00 : f32
    %broadcast_in_dim3A_6 = vector.broadcast %broadcast_in_dim3A : f32 to vector<16xf32>
    %scan3A = arith.constant 0 : i32
    %scan3A_7 = arith.constant 0 : i32
    %scan3A_8 = arith.constant 1024 : i32
    %scan3A_9 = arith.addi %scan3A_7, %scan3A_8 : i32
    %scan3A_10 = arith.constant 1 : i32
    scf.for %scan3A_80 = %scan3A_7 to %scan3A_9 step %scan3A_10  : i32 {
      %jit3A = arith.constant 8 : i32
      %div3A = arith.divsi %scan3A_80, %jit3A : i32
      %sign3A = arith.constant 0 : i32
      %sign3A_81 = arith.cmpi sgt, %scan3A_80, %sign3A : i32
      %sign3A_82 = arith.extui %sign3A_81 : i1 to i32
      %sign3A_83 = arith.constant 0 : i32
      %sign3A_84 = arith.cmpi slt, %scan3A_80, %sign3A_83 : i32
      %sign3A_85 = arith.extui %sign3A_84 : i1 to i32
      %sign3A_86 = arith.subi %sign3A_82, %sign3A_85 : i32
      %sign3A_87 = arith.constant 0 : i32
      %sign3A_88 = arith.cmpi sgt, %jit3A, %sign3A_87 : i32
      %sign3A_89 = arith.extui %sign3A_88 : i1 to i32
      %sign3A_90 = arith.constant 0 : i32
      %sign3A_91 = arith.cmpi slt, %jit3A, %sign3A_90 : i32
      %sign3A_92 = arith.extui %sign3A_91 : i1 to i32
      %sign3A_93 = arith.subi %sign3A_89, %sign3A_92 : i32
      %ne3A = arith.cmpi ne, %sign3A_86, %sign3A_93 : i32
      %rem3A = arith.remsi %scan3A_80, %jit3A : i32
      %ne3A_94 = arith.constant 0 : i32
      %ne3A_95 = arith.cmpi ne, %rem3A, %ne3A_94 : i32
      %and3A = arith.andi %ne3A, %ne3A_95 : i1
      %sub3A = arith.constant 1 : i32
      %sub3A_96 = arith.subi %div3A, %sub3A : i32
      %select_n3A_97 = arith.select %and3A, %sub3A_96, %div3A : i32
      %jit3A_98 = arith.constant 8 : i32
      %eq3A_99 = arith.constant 0 : i32
      %eq3A_100 = arith.cmpi eq, %jit3A_98, %eq3A_99 : i32
      %jit3A_101 = arith.constant 1 : i32
      %select_n3A_102 = arith.select %eq3A_100, %jit3A_101, %jit3A_98 : i32
      %rem3A_103 = arith.remsi %scan3A_80, %select_n3A_102 : i32
      %ne3A_104 = arith.constant 0 : i32
      %ne3A_105 = arith.cmpi ne, %rem3A_103, %ne3A_104 : i32
      %lt3A = arith.constant 0 : i32
      %lt3A_106 = arith.cmpi slt, %rem3A_103, %lt3A : i32
      %lt3A_107 = arith.constant 0 : i32
      %lt3A_108 = arith.cmpi slt, %select_n3A_102, %lt3A_107 : i32
      %ne3A_109 = arith.xori %lt3A_106, %lt3A_108 : i1
      %and3A_110 = arith.andi %ne3A_109, %ne3A_105 : i1
      %add3A_111 = arith.addi %rem3A_103, %select_n3A_102 : i32
      %select_n3A_112 = arith.select %and3A_110, %add3A_111, %rem3A_103 : i32
      %mul3A_113 = arith.constant 16 : i32
      %mul3A_114 = arith.muli %select_n3A_112, %mul3A_113 : i32
      %swap3A = arith.index_cast %select_n3A_97 : i32 to index
      %swap3A_115 = arith.index_cast %mul3A_114 : i32 to index
      %swap3A_116 = tpu.vector_load %arg8[%swap3A, %swap3A_115] {strides = array<i32>} : memref<128x128xf32, #tpu.memory_space<vmem>>, vector<1x16xf32>,
      %swap3A_117 = vector.shape_cast %swap3A_116 : vector<1x16xf32> to vector<16xf32>
      %swap3A_118 = vector.shape_cast %broadcast_in_dim3A_6 : vector<16xf32> to vector<1x16xf32>
      tpu.vector_store %arg8[%swap3A, %swap3A_115], %swap3A_118 {strides = array<i32>} : memref<128x128xf32, #tpu.memory_space<vmem>>, vector<1x16xf32>,
    }
    %scan3A_11 = arith.constant 1024 : i32
    %add3A_12 = arith.constant 0 : i32
    %add3A_13 = arith.addi %multiple_of3A, %add3A_12 : i32
    "tpu.region"() ({
      %run_scoped3A_80 = tpu.sem_alloc : memref<!tpu.dma_semaphore, #tpu.memory_space<semaphore_mem>>
      %dma_start3A_81 = arith.constant 0 : i32
      %dma_start3A_82 = tpu.memref_slice %arg10[%add3A_13, %dma_start3A_81] : memref<10112x128xf32, #tpu.memory_space<vmem_shared>> -> memref<128x128xf32, #tpu.memory_space<vmem_shared>>
      %dma_start3A_83 = arith.constant 0 : i32
      %dma_start3A_84 = tpu.memref_slice %arg10[%add3A_13, %dma_start3A_83] : memref<10112x128xf32, #tpu.memory_space<vmem_shared>> -> memref<128x128xf32, #tpu.memory_space<vmem_shared>>
      tpu.enqueue_dma source(%arg8 : memref<128x128xf32, #tpu.memory_space<vmem>>) target(%dma_start3A_84 : memref<128x128xf32, #tpu.memory_space<vmem_shared>>) target_semaphore(%run_scoped3A_80 : memref<!tpu.dma_semaphore, #tpu.memory_space<semaphore_mem>>)
      %dma_wait3A = arith.constant 0 : i32
      %dma_wait3A_85 = tpu.memref_slice %arg10[%add3A_13, %dma_wait3A] : memref<10112x128xf32, #tpu.memory_space<vmem_shared>> -> memref<128x128xf32, #tpu.memory_space<vmem_shared>>
      %dma_wait3A_86 = arith.constant 0 : i32
      %dma_wait3A_87 = tpu.memref_slice %arg10[%add3A_13, %dma_wait3A_86] : memref<10112x128xf32, #tpu.memory_space<vmem_shared>> -> memref<128x128xf32, #tpu.memory_space<vmem_shared>>
      tpu.wait_dma2 semaphore(%run_scoped3A_80 : memref<!tpu.dma_semaphore, #tpu.memory_space<semaphore_mem>>) src(%arg8 : memref<128x128xf32, #tpu.memory_space<vmem>>) dst(%dma_wait3A_87 : memref<128x128xf32, #tpu.memory_space<vmem_shared>>)
      tpu.yield
    }) : () -> ()
    %add3A_14 = arith.constant 128 : i32
    %add3A_15 = arith.addi %multiple_of3A, %add3A_14 : i32
    "tpu.region"() ({
      %run_scoped3A_80 = tpu.sem_alloc : memref<!tpu.dma_semaphore, #tpu.memory_space<semaphore_mem>>
      %dma_start3A_81 = arith.constant 0 : i32
      %dma_start3A_82 = tpu.memref_slice %arg10[%add3A_15, %dma_start3A_81] : memref<10112x128xf32, #tpu.memory_space<vmem_shared>> -> memref<128x128xf32, #tpu.memory_space<vmem_shared>>
      %dma_start3A_83 = arith.constant 0 : i32
      %dma_start3A_84 = tpu.memref_slice %arg10[%add3A_15, %dma_start3A_83] : memref<10112x128xf32, #tpu.memory_space<vmem_shared>> -> memref<128x128xf32, #tpu.memory_space<vmem_shared>>
      tpu.enqueue_dma source(%arg8 : memref<128x128xf32, #tpu.memory_space<vmem>>) target(%dma_start3A_84 : memref<128x128xf32, #tpu.memory_space<vmem_shared>>) target_semaphore(%run_scoped3A_80 : memref<!tpu.dma_semaphore, #tpu.memory_space<semaphore_mem>>)
      %dma_wait3A = arith.constant 0 : i32
      %dma_wait3A_85 = tpu.memref_slice %arg10[%add3A_15, %dma_wait3A] : memref<10112x128xf32, #tpu.memory_space<vmem_shared>> -> memref<128x128xf32, #tpu.memory_space<vmem_shared>>
      %dma_wait3A_86 = arith.constant 0 : i32
      %dma_wait3A_87 = tpu.memref_slice %arg10[%add3A_15, %dma_wait3A_86] : memref<10112x128xf32, #tpu.memory_space<vmem_shared>> -> memref<128x128xf32, #tpu.memory_space<vmem_shared>>
      tpu.wait_dma2 semaphore(%run_scoped3A_80 : memref<!tpu.dma_semaphore, #tpu.memory_space<semaphore_mem>>) src(%arg8 : memref<128x128xf32, #tpu.memory_space<vmem>>) dst(%dma_wait3A_87 : memref<128x128xf32, #tpu.memory_space<vmem_shared>>)
      tpu.yield
    }) : () -> ()
    %add3A_16 = arith.constant 256 : i32
    %add3A_17 = arith.addi %multiple_of3A, %add3A_16 : i32
    "tpu.region"() ({
      %run_scoped3A_80 = tpu.sem_alloc : memref<!tpu.dma_semaphore, #tpu.memory_space<semaphore_mem>>
      %dma_start3A_81 = arith.constant 0 : i32
      %dma_start3A_82 = tpu.memref_slice %arg10[%add3A_17, %dma_start3A_81] : memref<10112x128xf32, #tpu.memory_space<vmem_shared>> -> memref<128x128xf32, #tpu.memory_space<vmem_shared>>
      %dma_start3A_83 = arith.constant 0 : i32
      %dma_start3A_84 = tpu.memref_slice %arg10[%add3A_17, %dma_start3A_83] : memref<10112x128xf32, #tpu.memory_space<vmem_shared>> -> memref<128x128xf32, #tpu.memory_space<vmem_shared>>
      tpu.enqueue_dma source(%arg8 : memref<128x128xf32, #tpu.memory_space<vmem>>) target(%dma_start3A_84 : memref<128x128xf32, #tpu.memory_space<vmem_shared>>) target_semaphore(%run_scoped3A_80 : memref<!tpu.dma_semaphore, #tpu.memory_space<semaphore_mem>>)
      %dma_wait3A = arith.constant 0 : i32
      %dma_wait3A_85 = tpu.memref_slice %arg10[%add3A_17, %dma_wait3A] : memref<10112x128xf32, #tpu.memory_space<vmem_shared>> -> memref<128x128xf32, #tpu.memory_space<vmem_shared>>
      %dma_wait3A_86 = arith.constant 0 : i32
      %dma_wait3A_87 = tpu.memref_slice %arg10[%add3A_17, %dma_wait3A_86] : memref<10112x128xf32, #tpu.memory_space<vmem_shared>> -> memref<128x128xf32, #tpu.memory_space<vmem_shared>>
      tpu.wait_dma2 semaphore(%run_scoped3A_80 : memref<!tpu.dma_semaphore, #tpu.memory_space<semaphore_mem>>) src(%arg8 : memref<128x128xf32, #tpu.memory_space<vmem>>) dst(%dma_wait3A_87 : memref<128x128xf32, #tpu.memory_space<vmem_shared>>)
      tpu.yield
    }) : () -> ()
    %add3A_18 = arith.constant 384 : i32
    %add3A_19 = arith.addi %multiple_of3A, %add3A_18 : i32
    "tpu.region"() ({
      %run_scoped3A_80 = tpu.sem_alloc : memref<!tpu.dma_semaphore, #tpu.memory_space<semaphore_mem>>
      %dma_start3A_81 = arith.constant 0 : i32
      %dma_start3A_82 = tpu.memref_slice %arg10[%add3A_19, %dma_start3A_81] : memref<10112x128xf32, #tpu.memory_space<vmem_shared>> -> memref<128x128xf32, #tpu.memory_space<vmem_shared>>
      %dma_start3A_83 = arith.constant 0 : i32
      %dma_start3A_84 = tpu.memref_slice %arg10[%add3A_19, %dma_start3A_83] : memref<10112x128xf32, #tpu.memory_space<vmem_shared>> -> memref<128x128xf32, #tpu.memory_space<vmem_shared>>
      tpu.enqueue_dma source(%arg8 : memref<128x128xf32, #tpu.memory_space<vmem>>) target(%dma_start3A_84 : memref<128x128xf32, #tpu.memory_space<vmem_shared>>) target_semaphore(%run_scoped3A_80 : memref<!tpu.dma_semaphore, #tpu.memory_space<semaphore_mem>>)
      %dma_wait3A = arith.constant 0 : i32
      %dma_wait3A_85 = tpu.memref_slice %arg10[%add3A_19, %dma_wait3A] : memref<10112x128xf32, #tpu.memory_space<vmem_shared>> -> memref<128x128xf32, #tpu.memory_space<vmem_shared>>
      %dma_wait3A_86 = arith.constant 0 : i32
      %dma_wait3A_87 = tpu.memref_slice %arg10[%add3A_19, %dma_wait3A_86] : memref<10112x128xf32, #tpu.memory_space<vmem_shared>> -> memref<128x128xf32, #tpu.memory_space<vmem_shared>>
      tpu.wait_dma2 semaphore(%run_scoped3A_80 : memref<!tpu.dma_semaphore, #tpu.memory_space<semaphore_mem>>) src(%arg8 : memref<128x128xf32, #tpu.memory_space<vmem>>) dst(%dma_wait3A_87 : memref<128x128xf32, #tpu.memory_space<vmem_shared>>)
      tpu.yield
    }) : () -> ()
    %add3A_20 = arith.constant 512 : i32
    %add3A_21 = arith.addi %multiple_of3A, %add3A_20 : i32
    "tpu.region"() ({
      %run_scoped3A_80 = tpu.sem_alloc : memref<!tpu.dma_semaphore, #tpu.memory_space<semaphore_mem>>
      %dma_start3A_81 = arith.constant 0 : i32
      %dma_start3A_82 = arith.constant 0 : i32
      %dma_start3A_83 = tpu.memref_slice %arg8[%dma_start3A_81, %dma_start3A_82] : memref<128x128xf32, #tpu.memory_space<vmem>> -> memref<120x128xf32, #tpu.memory_space<vmem>>
      %dma_start3A_84 = arith.constant 0 : i32
      %dma_start3A_85 = tpu.memref_slice %arg10[%add3A_21, %dma_start3A_84] : memref<10112x128xf32, #tpu.memory_space<vmem_shared>> -> memref<120x128xf32, #tpu.memory_space<vmem_shared>>
      %dma_start3A_86 = arith.constant 0 : i32
      %dma_start3A_87 = tpu.memref_slice %arg10[%add3A_21, %dma_start3A_86] : memref<10112x128xf32, #tpu.memory_space<vmem_shared>> -> memref<120x128xf32, #tpu.memory_space<vmem_shared>>
      %dma_start3A_88 = arith.constant 0 : i32
      %dma_start3A_89 = arith.constant 0 : i32
      %dma_start3A_90 = tpu.memref_slice %arg8[%dma_start3A_88, %dma_start3A_89] : memref<128x128xf32, #tpu.memory_space<vmem>> -> memref<120x128xf32, #tpu.memory_space<vmem>>
      tpu.enqueue_dma source(%dma_start3A_90 : memref<120x128xf32, #tpu.memory_space<vmem>>) target(%dma_start3A_87 : memref<120x128xf32, #tpu.memory_space<vmem_shared>>) target_semaphore(%run_scoped3A_80 : memref<!tpu.dma_semaphore, #tpu.memory_space<semaphore_mem>>)
      %dma_wait3A = arith.constant 0 : i32
      %dma_wait3A_91 = arith.constant 0 : i32
      %dma_wait3A_92 = tpu.memref_slice %arg8[%dma_wait3A, %dma_wait3A_91] : memref<128x128xf32, #tpu.memory_space<vmem>> -> memref<120x128xf32, #tpu.memory_space<vmem>>
      %dma_wait3A_93 = arith.constant 0 : i32
      %dma_wait3A_94 = tpu.memref_slice %arg10[%add3A_21, %dma_wait3A_93] : memref<10112x128xf32, #tpu.memory_space<vmem_shared>> -> memref<120x128xf32, #tpu.memory_space<vmem_shared>>
      %dma_wait3A_95 = arith.constant 0 : i32
      %dma_wait3A_96 = tpu.memref_slice %arg10[%add3A_21, %dma_wait3A_95] : memref<10112x128xf32, #tpu.memory_space<vmem_shared>> -> memref<120x128xf32, #tpu.memory_space<vmem_shared>>
      %dma_wait3A_97 = arith.constant 0 : i32
      %dma_wait3A_98 = arith.constant 0 : i32
      %dma_wait3A_99 = tpu.memref_slice %arg8[%dma_wait3A_97, %dma_wait3A_98] : memref<128x128xf32, #tpu.memory_space<vmem>> -> memref<120x128xf32, #tpu.memory_space<vmem>>
      tpu.wait_dma2 semaphore(%run_scoped3A_80 : memref<!tpu.dma_semaphore, #tpu.memory_space<semaphore_mem>>) src(%dma_wait3A_99 : memref<120x128xf32, #tpu.memory_space<vmem>>) dst(%dma_wait3A_96 : memref<120x128xf32, #tpu.memory_space<vmem_shared>>)
      tpu.yield
    }) : () -> ()
    %barrier3A = arith.constant 0 : index
    tpu.barrier barrier_id(%barrier3A)
    %mul3A_22 = arith.constant 61 : i32
    %mul3A_23 = arith.muli %add3A, %mul3A_22 : i32
    %run_scoped3A = arith.constant 0 : i32
    "tpu.region"() ({
      %run_scoped3A_80 = tpu.sem_alloc : memref<!tpu.dma_semaphore, #tpu.memory_space<semaphore_mem>>
      %dma_start3A_81 = arith.constant 0 : i32
      %dma_start3A_82 = arith.constant 0 : i32
      %dma_start3A_83 = tpu.memref_slice %arg6[%run_scoped3A, %dma_start3A_81, %dma_start3A_82] : memref<2x2x128xi32, #tpu.memory_space<vmem>> -> memref<1x2x128xi32, #tpu.memory_space<vmem>>
      %dma_start3A_84 = tpu.memref_squeeze %dma_start3A_83 : memref<1x2x128xi32, #tpu.memory_space<vmem>> -> memref<2x128xi32, #tpu.memory_space<vmem>>
      %dma_start3A_85 = arith.constant 0 : i32
      %dma_start3A_86 = arith.constant 0 : i32
      %dma_start3A_87 = tpu.memref_slice %arg3[%mul3A_23, %dma_start3A_85, %dma_start3A_86] : memref<1952x2x128xi32, #tpu.memory_space<hbm>> -> memref<1x2x128xi32, #tpu.memory_space<hbm>>
      %dma_start3A_88 = tpu.memref_squeeze %dma_start3A_87 : memref<1x2x128xi32, #tpu.memory_space<hbm>> -> memref<2x128xi32, #tpu.memory_space<hbm>>
      %dma_start3A_89 = arith.constant 0 : i32
      %dma_start3A_90 = arith.constant 0 : i32
      %dma_start3A_91 = tpu.memref_slice %arg6[%run_scoped3A, %dma_start3A_89, %dma_start3A_90] : memref<2x2x128xi32, #tpu.memory_space<vmem>> -> memref<1x2x128xi32, #tpu.memory_space<vmem>>
      %dma_start3A_92 = tpu.memref_squeeze %dma_start3A_91 : memref<1x2x128xi32, #tpu.memory_space<vmem>> -> memref<2x128xi32, #tpu.memory_space<vmem>>
      %dma_start3A_93 = arith.constant 0 : i32
      %dma_start3A_94 = arith.constant 0 : i32
      %dma_start3A_95 = tpu.memref_slice %arg3[%mul3A_23, %dma_start3A_93, %dma_start3A_94] : memref<1952x2x128xi32, #tpu.memory_space<hbm>> -> memref<1x2x128xi32, #tpu.memory_space<hbm>>
      %dma_start3A_96 = tpu.memref_squeeze %dma_start3A_95 : memref<1x2x128xi32, #tpu.memory_space<hbm>> -> memref<2x128xi32, #tpu.memory_space<hbm>>
      tpu.enqueue_dma source(%dma_start3A_96 : memref<2x128xi32, #tpu.memory_space<hbm>>) target(%dma_start3A_92 : memref<2x128xi32, #tpu.memory_space<vmem>>) target_semaphore(%run_scoped3A_80 : memref<!tpu.dma_semaphore, #tpu.memory_space<semaphore_mem>>)
      %dma_wait3A = arith.constant 0 : i32
      %dma_wait3A_97 = arith.constant 0 : i32
      %dma_wait3A_98 = tpu.memref_slice %arg6[%run_scoped3A, %dma_wait3A, %dma_wait3A_97] : memref<2x2x128xi32, #tpu.memory_space<vmem>> -> memref<1x2x128xi32, #tpu.memory_space<vmem>>
      %dma_wait3A_99 = tpu.memref_squeeze %dma_wait3A_98 : memref<1x2x128xi32, #tpu.memory_space<vmem>> -> memref<2x128xi32, #tpu.memory_space<vmem>>
      %dma_wait3A_100 = arith.constant 0 : i32
      %dma_wait3A_101 = arith.constant 0 : i32
      %dma_wait3A_102 = tpu.memref_slice %arg3[%mul3A_23, %dma_wait3A_100, %dma_wait3A_101] : memref<1952x2x128xi32, #tpu.memory_space<hbm>> -> memref<1x2x128xi32, #tpu.memory_space<hbm>>
      %dma_wait3A_103 = tpu.memref_squeeze %dma_wait3A_102 : memref<1x2x128xi32, #tpu.memory_space<hbm>> -> memref<2x128xi32, #tpu.memory_space<hbm>>
      %dma_wait3A_104 = arith.constant 0 : i32
      %dma_wait3A_105 = arith.constant 0 : i32
      %dma_wait3A_106 = tpu.memref_slice %arg6[%run_scoped3A, %dma_wait3A_104, %dma_wait3A_105] : memref<2x2x128xi32, #tpu.memory_space<vmem>> -> memref<1x2x128xi32, #tpu.memory_space<vmem>>
      %dma_wait3A_107 = tpu.memref_squeeze %dma_wait3A_106 : memref<1x2x128xi32, #tpu.memory_space<vmem>> -> memref<2x128xi32, #tpu.memory_space<vmem>>
      %dma_wait3A_108 = arith.constant 0 : i32
      %dma_wait3A_109 = arith.constant 0 : i32
      %dma_wait3A_110 = tpu.memref_slice %arg3[%mul3A_23, %dma_wait3A_108, %dma_wait3A_109] : memref<1952x2x128xi32, #tpu.memory_space<hbm>> -> memref<1x2x128xi32, #tpu.memory_space<hbm>>
      %dma_wait3A_111 = tpu.memref_squeeze %dma_wait3A_110 : memref<1x2x128xi32, #tpu.memory_space<hbm>> -> memref<2x128xi32, #tpu.memory_space<hbm>>
      tpu.wait_dma2 semaphore(%run_scoped3A_80 : memref<!tpu.dma_semaphore, #tpu.memory_space<semaphore_mem>>) src(%dma_wait3A_111 : memref<2x128xi32, #tpu.memory_space<hbm>>) dst(%dma_wait3A_107 : memref<2x128xi32, #tpu.memory_space<vmem>>)
      tpu.yield
    }) : () -> ()
    %mul3A_24 = arith.constant 61 : i32
    %mul3A_25 = arith.muli %add3A, %mul3A_24 : i32
    %run_scoped3A_26 = arith.constant 0 : i32
    "tpu.region"() ({
      %run_scoped3A_80 = tpu.sem_alloc : memref<!tpu.dma_semaphore, #tpu.memory_space<semaphore_mem>>
      %dma_start3A_81 = arith.constant 0 : i32
      %dma_start3A_82 = arith.constant 0 : i32
      %dma_start3A_83 = tpu.memref_slice %arg7[%run_scoped3A_26, %dma_start3A_81, %dma_start3A_82] : memref<2x2x128xi32, #tpu.memory_space<vmem>> -> memref<1x2x128xi32, #tpu.memory_space<vmem>>
      %dma_start3A_84 = tpu.memref_squeeze %dma_start3A_83 : memref<1x2x128xi32, #tpu.memory_space<vmem>> -> memref<2x128xi32, #tpu.memory_space<vmem>>
      %dma_start3A_85 = arith.constant 0 : i32
      %dma_start3A_86 = arith.constant 0 : i32
      %dma_start3A_87 = tpu.memref_slice %arg4[%mul3A_25, %dma_start3A_85, %dma_start3A_86] : memref<1952x2x128xi32, #tpu.memory_space<hbm>> -> memref<1x2x128xi32, #tpu.memory_space<hbm>>
      %dma_start3A_88 = tpu.memref_squeeze %dma_start3A_87 : memref<1x2x128xi32, #tpu.memory_space<hbm>> -> memref<2x128xi32, #tpu.memory_space<hbm>>
      %dma_start3A_89 = arith.constant 0 : i32
      %dma_start3A_90 = arith.constant 0 : i32
      %dma_start3A_91 = tpu.memref_slice %arg7[%run_scoped3A_26, %dma_start3A_89, %dma_start3A_90] : memref<2x2x128xi32, #tpu.memory_space<vmem>> -> memref<1x2x128xi32, #tpu.memory_space<vmem>>
      %dma_start3A_92 = tpu.memref_squeeze %dma_start3A_91 : memref<1x2x128xi32, #tpu.memory_space<vmem>> -> memref<2x128xi32, #tpu.memory_space<vmem>>
      %dma_start3A_93 = arith.constant 0 : i32
      %dma_start3A_94 = arith.constant 0 : i32
      %dma_start3A_95 = tpu.memref_slice %arg4[%mul3A_25, %dma_start3A_93, %dma_start3A_94] : memref<1952x2x128xi32, #tpu.memory_space<hbm>> -> memref<1x2x128xi32, #tpu.memory_space<hbm>>
      %dma_start3A_96 = tpu.memref_squeeze %dma_start3A_95 : memref<1x2x128xi32, #tpu.memory_space<hbm>> -> memref<2x128xi32, #tpu.memory_space<hbm>>
      tpu.enqueue_dma source(%dma_start3A_96 : memref<2x128xi32, #tpu.memory_space<hbm>>) target(%dma_start3A_92 : memref<2x128xi32, #tpu.memory_space<vmem>>) target_semaphore(%run_scoped3A_80 : memref<!tpu.dma_semaphore, #tpu.memory_space<semaphore_mem>>)
      %dma_wait3A = arith.constant 0 : i32
      %dma_wait3A_97 = arith.constant 0 : i32
      %dma_wait3A_98 = tpu.memref_slice %arg7[%run_scoped3A_26, %dma_wait3A, %dma_wait3A_97] : memref<2x2x128xi32, #tpu.memory_space<vmem>> -> memref<1x2x128xi32, #tpu.memory_space<vmem>>
      %dma_wait3A_99 = tpu.memref_squeeze %dma_wait3A_98 : memref<1x2x128xi32, #tpu.memory_space<vmem>> -> memref<2x128xi32, #tpu.memory_space<vmem>>
      %dma_wait3A_100 = arith.constant 0 : i32
      %dma_wait3A_101 = arith.constant 0 : i32
      %dma_wait3A_102 = tpu.memref_slice %arg4[%mul3A_25, %dma_wait3A_100, %dma_wait3A_101] : memref<1952x2x128xi32, #tpu.memory_space<hbm>> -> memref<1x2x128xi32, #tpu.memory_space<hbm>>
      %dma_wait3A_103 = tpu.memref_squeeze %dma_wait3A_102 : memref<1x2x128xi32, #tpu.memory_space<hbm>> -> memref<2x128xi32, #tpu.memory_space<hbm>>
      %dma_wait3A_104 = arith.constant 0 : i32
      %dma_wait3A_105 = arith.constant 0 : i32
      %dma_wait3A_106 = tpu.memref_slice %arg7[%run_scoped3A_26, %dma_wait3A_104, %dma_wait3A_105] : memref<2x2x128xi32, #tpu.memory_space<vmem>> -> memref<1x2x128xi32, #tpu.memory_space<vmem>>
      %dma_wait3A_107 = tpu.memref_squeeze %dma_wait3A_106 : memref<1x2x128xi32, #tpu.memory_space<vmem>> -> memref<2x128xi32, #tpu.memory_space<vmem>>
      %dma_wait3A_108 = arith.constant 0 : i32
      %dma_wait3A_109 = arith.constant 0 : i32
      %dma_wait3A_110 = tpu.memref_slice %arg4[%mul3A_25, %dma_wait3A_108, %dma_wait3A_109] : memref<1952x2x128xi32, #tpu.memory_space<hbm>> -> memref<1x2x128xi32, #tpu.memory_space<hbm>>
      %dma_wait3A_111 = tpu.memref_squeeze %dma_wait3A_110 : memref<1x2x128xi32, #tpu.memory_space<hbm>> -> memref<2x128xi32, #tpu.memory_space<hbm>>
      tpu.wait_dma2 semaphore(%run_scoped3A_80 : memref<!tpu.dma_semaphore, #tpu.memory_space<semaphore_mem>>) src(%dma_wait3A_111 : memref<2x128xi32, #tpu.memory_space<hbm>>) dst(%dma_wait3A_107 : memref<2x128xi32, #tpu.memory_space<vmem>>)
      tpu.yield
    }) : () -> ()
    %dma_start3A = arith.constant 0 : i32
    %dma_start3A_27 = arith.constant 0 : i32
    %dma_start3A_28 = arith.constant 0 : i32
    %dma_start3A_29 = arith.constant 0 : i32
    %dma_start3A_30 = tpu.memref_slice %arg8[%dma_start3A_28, %dma_start3A_29] : memref<128x128xf32, #tpu.memory_space<vmem>> -> memref<64x128xf32, #tpu.memory_space<vmem>>
    %dma_start3A_31 = arith.constant 0 : i32
    %dma_start3A_32 = tpu.memref_slice %arg6[%dma_start3A, %dma_start3A_27, %dma_start3A_31] : memref<2x2x128xi32, #tpu.memory_space<vmem>> -> memref<1x1x64xi32, #tpu.memory_space<vmem>>
    %dma_start3A_33 = tpu.memref_squeeze %dma_start3A_32 : memref<1x1x64xi32, #tpu.memory_space<vmem>> -> memref<64xi32, #tpu.memory_space<vmem>>
    %dma_start3A_34 = arith.constant 0 : i32
    %dma_start3A_35 = arith.constant 0 : i32
    %dma_start3A_36 = tpu.memref_slice %arg2[%dma_start3A_34, %dma_start3A_35] : memref<20000x128xf32, #tpu.memory_space<hbm>> -> memref<20000x128xf32, #tpu.memory_space<hbm>>
    tpu.enqueue_indirect_dma source(%dma_start3A_36 : memref<20000x128xf32, #tpu.memory_space<hbm>>) target(%dma_start3A_30 : memref<64x128xf32, #tpu.memory_space<vmem>>) offsets(%dma_start3A_33 : memref<64xi32, #tpu.memory_space<vmem>>) semaphore(%arg11 : memref<!tpu.dma_semaphore, #tpu.memory_space<semaphore_mem>>)
    %dma_start3A_37 = arith.constant 0 : i32
    %dma_start3A_38 = arith.constant 0 : i32
    %dma_start3A_39 = arith.constant 64 : i32
    %dma_start3A_40 = arith.constant 0 : i32
    %dma_start3A_41 = tpu.memref_slice %arg8[%dma_start3A_39, %dma_start3A_40] : memref<128x128xf32, #tpu.memory_space<vmem>> -> memref<64x128xf32, #tpu.memory_space<vmem>>
    %dma_start3A_42 = arith.constant 64 : i32
    %dma_start3A_43 = tpu.memref_slice %arg6[%dma_start3A_37, %dma_start3A_38, %dma_start3A_42] : memref<2x2x128xi32, #tpu.memory_space<vmem>> -> memref<1x1x64xi32, #tpu.memory_space<vmem>>
    %dma_start3A_44 = tpu.memref_squeeze %dma_start3A_43 : memref<1x1x64xi32, #tpu.memory_space<vmem>> -> memref<64xi32, #tpu.memory_space<vmem>>
    %dma_start3A_45 = arith.constant 0 : i32
    %dma_start3A_46 = arith.constant 0 : i32
    %dma_start3A_47 = tpu.memref_slice %arg2[%dma_start3A_45, %dma_start3A_46] : memref<20000x128xf32, #tpu.memory_space<hbm>> -> memref<20000x128xf32, #tpu.memory_space<hbm>>
    tpu.enqueue_indirect_dma source(%dma_start3A_47 : memref<20000x128xf32, #tpu.memory_space<hbm>>) target(%dma_start3A_41 : memref<64x128xf32, #tpu.memory_space<vmem>>) offsets(%dma_start3A_44 : memref<64xi32, #tpu.memory_space<vmem>>) semaphore(%arg11 : memref<!tpu.dma_semaphore, #tpu.memory_space<semaphore_mem>>)
    %dma_start3A_48 = arith.constant 0 : i32
    %dma_start3A_49 = arith.constant 1 : i32
    %dma_start3A_50 = arith.constant 0 : i32
    %dma_start3A_51 = arith.constant 0 : i32
    %dma_start3A_52 = tpu.memref_slice %arg9[%dma_start3A_50, %dma_start3A_51] : memref<128x128xf32, #tpu.memory_space<vmem>> -> memref<64x128xf32, #tpu.memory_space<vmem>>
    %dma_start3A_53 = arith.constant 0 : i32
    %dma_start3A_54 = tpu.memref_slice %arg6[%dma_start3A_48, %dma_start3A_49, %dma_start3A_53] : memref<2x2x128xi32, #tpu.memory_space<vmem>> -> memref<1x1x64xi32, #tpu.memory_space<vmem>>
    %dma_start3A_55 = tpu.memref_squeeze %dma_start3A_54 : memref<1x1x64xi32, #tpu.memory_space<vmem>> -> memref<64xi32, #tpu.memory_space<vmem>>
    %dma_start3A_56 = arith.constant 0 : i32
    %dma_start3A_57 = arith.constant 0 : i32
    %dma_start3A_58 = tpu.memref_slice %arg2[%dma_start3A_56, %dma_start3A_57] : memref<20000x128xf32, #tpu.memory_space<hbm>> -> memref<20000x128xf32, #tpu.memory_space<hbm>>
    tpu.enqueue_indirect_dma source(%dma_start3A_58 : memref<20000x128xf32, #tpu.memory_space<hbm>>) target(%dma_start3A_52 : memref<64x128xf32, #tpu.memory_space<vmem>>) offsets(%dma_start3A_55 : memref<64xi32, #tpu.memory_space<vmem>>) semaphore(%arg12 : memref<!tpu.dma_semaphore, #tpu.memory_space<semaphore_mem>>)
    %dma_start3A_59 = arith.constant 0 : i32
    %dma_start3A_60 = arith.constant 1 : i32
    %dma_start3A_61 = arith.constant 64 : i32
    %dma_start3A_62 = arith.constant 0 : i32
    %dma_start3A_63 = tpu.memref_slice %arg9[%dma_start3A_61, %dma_start3A_62] : memref<128x128xf32, #tpu.memory_space<vmem>> -> memref<64x128xf32, #tpu.memory_space<vmem>>
    %dma_start3A_64 = arith.constant 64 : i32
    %dma_start3A_65 = tpu.memref_slice %arg6[%dma_start3A_59, %dma_start3A_60, %dma_start3A_64] : memref<2x2x128xi32, #tpu.memory_space<vmem>> -> memref<1x1x64xi32, #tpu.memory_space<vmem>>
    %dma_start3A_66 = tpu.memref_squeeze %dma_start3A_65 : memref<1x1x64xi32, #tpu.memory_space<vmem>> -> memref<64xi32, #tpu.memory_space<vmem>>
    %dma_start3A_67 = arith.constant 0 : i32
    %dma_start3A_68 = arith.constant 0 : i32
    %dma_start3A_69 = tpu.memref_slice %arg2[%dma_start3A_67, %dma_start3A_68] : memref<20000x128xf32, #tpu.memory_space<hbm>> -> memref<20000x128xf32, #tpu.memory_space<hbm>>
    tpu.enqueue_indirect_dma source(%dma_start3A_69 : memref<20000x128xf32, #tpu.memory_space<hbm>>) target(%dma_start3A_63 : memref<64x128xf32, #tpu.memory_space<vmem>>) offsets(%dma_start3A_66 : memref<64xi32, #tpu.memory_space<vmem>>) semaphore(%arg12 : memref<!tpu.dma_semaphore, #tpu.memory_space<semaphore_mem>>)
    %while3A = arith.constant 0 : i32
    %while3A_70 = arith.constant 0 : i32
    %while3A_71 = arith.subi %select_n3A_3, %while3A_70 : i32
    %while3A_72 = arith.addi %while3A_70, %while3A_71 : i32
    %while3A_73 = arith.constant 1 : i32
    %while3A_74 = arith.divsi %while3A_71, %while3A_73 : i32
    %while3A_75 = arith.muli %while3A_74, %while3A_73 : i32
    %while3A_76 = arith.addi %while3A_70, %while3A_75 : i32
    %while3A_77 = arith.constant 1 : i32
    scf.for %while3A_80 = %while3A_70 to %while3A_76 step %while3A_77  : i32 {
      %jit3A = arith.constant 2 : i32
      %eq3A_81 = arith.constant 0 : i32
      %eq3A_82 = arith.cmpi eq, %jit3A, %eq3A_81 : i32
      %jit3A_83 = arith.constant 1 : i32
      %select_n3A_84 = arith.select %eq3A_82, %jit3A_83, %jit3A : i32
      %rem3A = arith.remsi %while3A_80, %select_n3A_84 : i32
      %ne3A = arith.constant 0 : i32
      %ne3A_85 = arith.cmpi ne, %rem3A, %ne3A : i32
      %lt3A = arith.constant 0 : i32
      %lt3A_86 = arith.cmpi slt, %rem3A, %lt3A : i32
      %lt3A_87 = arith.constant 0 : i32
      %lt3A_88 = arith.cmpi slt, %select_n3A_84, %lt3A_87 : i32
      %ne3A_89 = arith.xori %lt3A_86, %lt3A_88 : i1
      %and3A = arith.andi %ne3A_89, %ne3A_85 : i1
      %add3A_90 = arith.addi %rem3A, %select_n3A_84 : i32
      %select_n3A_91 = arith.select %and3A, %add3A_90, %rem3A : i32
      %add3A_92 = arith.constant 1 : i32
      %add3A_93 = arith.addi %while3A_80, %add3A_92 : i32
      %jit3A_94 = arith.constant 2 : i32
      %eq3A_95 = arith.constant 0 : i32
      %eq3A_96 = arith.cmpi eq, %jit3A_94, %eq3A_95 : i32
      %jit3A_97 = arith.constant 1 : i32
      %select_n3A_98 = arith.select %eq3A_96, %jit3A_97, %jit3A_94 : i32
      %rem3A_99 = arith.remsi %add3A_93, %select_n3A_98 : i32
      %ne3A_100 = arith.constant 0 : i32
      %ne3A_101 = arith.cmpi ne, %rem3A_99, %ne3A_100 : i32
      %lt3A_102 = arith.constant 0 : i32
      %lt3A_103 = arith.cmpi slt, %rem3A_99, %lt3A_102 : i32
      %lt3A_104 = arith.constant 0 : i32
      %lt3A_105 = arith.cmpi slt, %select_n3A_98, %lt3A_104 : i32
      %ne3A_106 = arith.xori %lt3A_103, %lt3A_105 : i1
      %and3A_107 = arith.andi %ne3A_106, %ne3A_101 : i1
      %add3A_108 = arith.addi %rem3A_99, %select_n3A_98 : i32
      %select_n3A_109 = arith.select %and3A_107, %add3A_108, %rem3A_99 : i32
      %add3A_110 = arith.constant 1 : i32
      %add3A_111 = arith.addi %while3A_80, %add3A_110 : i32
      %lt3A_112 = arith.cmpi slt, %add3A_111, %select_n3A_3 : i32
      %convert_element_type3A = arith.extui %lt3A_112 : i1 to i32
      %cond3A = arith.constant 0 : i32
      %cond3A_113 = arith.cmpi ne, %convert_element_type3A, %cond3A : i32
      scf.if %cond3A_113 {
        %mul3A_174 = arith.constant 61 : i32
        %mul3A_175 = arith.muli %add3A, %mul3A_174 : i32
        %add3A_176 = arith.addi %mul3A_175, %while3A_80 : i32
        %add3A_177 = arith.constant 1 : i32
        %add3A_178 = arith.addi %add3A_176, %add3A_177 : i32
        %dma_start3A_179 = arith.constant 0 : i32
        %dma_start3A_180 = arith.constant 0 : i32
        %dma_start3A_181 = tpu.memref_slice %arg6[%select_n3A_109, %dma_start3A_179, %dma_start3A_180] : memref<2x2x128xi32, #tpu.memory_space<vmem>> -> memref<1x2x128xi32, #tpu.memory_space<vmem>>
        %dma_start3A_182 = tpu.memref_squeeze %dma_start3A_181 : memref<1x2x128xi32, #tpu.memory_space<vmem>> -> memref<2x128xi32, #tpu.memory_space<vmem>>
        %dma_start3A_183 = arith.constant 0 : i32
        %dma_start3A_184 = arith.constant 0 : i32
        %dma_start3A_185 = tpu.memref_slice %arg3[%add3A_178, %dma_start3A_183, %dma_start3A_184] : memref<1952x2x128xi32, #tpu.memory_space<hbm>> -> memref<1x2x128xi32, #tpu.memory_space<hbm>>
        %dma_start3A_186 = tpu.memref_squeeze %dma_start3A_185 : memref<1x2x128xi32, #tpu.memory_space<hbm>> -> memref<2x128xi32, #tpu.memory_space<hbm>>
        %dma_start3A_187 = arith.constant 0 : i32
        %dma_start3A_188 = arith.constant 0 : i32
        %dma_start3A_189 = tpu.memref_slice %arg6[%select_n3A_109, %dma_start3A_187, %dma_start3A_188] : memref<2x2x128xi32, #tpu.memory_space<vmem>> -> memref<1x2x128xi32, #tpu.memory_space<vmem>>
        %dma_start3A_190 = tpu.memref_squeeze %dma_start3A_189 : memref<1x2x128xi32, #tpu.memory_space<vmem>> -> memref<2x128xi32, #tpu.memory_space<vmem>>
        %dma_start3A_191 = arith.constant 0 : i32
        %dma_start3A_192 = arith.constant 0 : i32
        %dma_start3A_193 = tpu.memref_slice %arg3[%add3A_178, %dma_start3A_191, %dma_start3A_192] : memref<1952x2x128xi32, #tpu.memory_space<hbm>> -> memref<1x2x128xi32, #tpu.memory_space<hbm>>
        %dma_start3A_194 = tpu.memref_squeeze %dma_start3A_193 : memref<1x2x128xi32, #tpu.memory_space<hbm>> -> memref<2x128xi32, #tpu.memory_space<hbm>>
        tpu.enqueue_dma source(%dma_start3A_194 : memref<2x128xi32, #tpu.memory_space<hbm>>) target(%dma_start3A_190 : memref<2x128xi32, #tpu.memory_space<vmem>>) target_semaphore(%arg15 : memref<!tpu.dma_semaphore, #tpu.memory_space<semaphore_mem>>)
        %mul3A_195 = arith.constant 61 : i32
        %mul3A_196 = arith.muli %add3A, %mul3A_195 : i32
        %add3A_197 = arith.addi %mul3A_196, %while3A_80 : i32
        %add3A_198 = arith.constant 1 : i32
        %add3A_199 = arith.addi %add3A_197, %add3A_198 : i32
        %dma_start3A_200 = arith.constant 0 : i32
        %dma_start3A_201 = arith.constant 0 : i32
        %dma_start3A_202 = tpu.memref_slice %arg7[%select_n3A_109, %dma_start3A_200, %dma_start3A_201] : memref<2x2x128xi32, #tpu.memory_space<vmem>> -> memref<1x2x128xi32, #tpu.memory_space<vmem>>
        %dma_start3A_203 = tpu.memref_squeeze %dma_start3A_202 : memref<1x2x128xi32, #tpu.memory_space<vmem>> -> memref<2x128xi32, #tpu.memory_space<vmem>>
        %dma_start3A_204 = arith.constant 0 : i32
        %dma_start3A_205 = arith.constant 0 : i32
        %dma_start3A_206 = tpu.memref_slice %arg4[%add3A_199, %dma_start3A_204, %dma_start3A_205] : memref<1952x2x128xi32, #tpu.memory_space<hbm>> -> memref<1x2x128xi32, #tpu.memory_space<hbm>>
        %dma_start3A_207 = tpu.memref_squeeze %dma_start3A_206 : memref<1x2x128xi32, #tpu.memory_space<hbm>> -> memref<2x128xi32, #tpu.memory_space<hbm>>
        %dma_start3A_208 = arith.constant 0 : i32
        %dma_start3A_209 = arith.constant 0 : i32
        %dma_start3A_210 = tpu.memref_slice %arg7[%select_n3A_109, %dma_start3A_208, %dma_start3A_209] : memref<2x2x128xi32, #tpu.memory_space<vmem>> -> memref<1x2x128xi32, #tpu.memory_space<vmem>>
        %dma_start3A_211 = tpu.memref_squeeze %dma_start3A_210 : memref<1x2x128xi32, #tpu.memory_space<vmem>> -> memref<2x128xi32, #tpu.memory_space<vmem>>
        %dma_start3A_212 = arith.constant 0 : i32
        %dma_start3A_213 = arith.constant 0 : i32
        %dma_start3A_214 = tpu.memref_slice %arg4[%add3A_199, %dma_start3A_212, %dma_start3A_213] : memref<1952x2x128xi32, #tpu.memory_space<hbm>> -> memref<1x2x128xi32, #tpu.memory_space<hbm>>
        %dma_start3A_215 = tpu.memref_squeeze %dma_start3A_214 : memref<1x2x128xi32, #tpu.memory_space<hbm>> -> memref<2x128xi32, #tpu.memory_space<hbm>>
        tpu.enqueue_dma source(%dma_start3A_215 : memref<2x128xi32, #tpu.memory_space<hbm>>) target(%dma_start3A_211 : memref<2x128xi32, #tpu.memory_space<vmem>>) target_semaphore(%arg15 : memref<!tpu.dma_semaphore, #tpu.memory_space<semaphore_mem>>)
      } else {
      }
      %dma_wait3A = arith.constant 0 : i32
      %dma_wait3A_114 = arith.constant 0 : i32
      %dma_wait3A_115 = arith.constant 0 : i32
      %dma_wait3A_116 = tpu.memref_slice %arg8[%dma_wait3A_114, %dma_wait3A_115] : memref<128x128xf32, #tpu.memory_space<vmem>> -> memref<64x128xf32, #tpu.memory_space<vmem>>
      %dma_wait3A_117 = arith.constant 0 : i32
      %dma_wait3A_118 = tpu.memref_slice %arg6[%select_n3A_91, %dma_wait3A, %dma_wait3A_117] : memref<2x2x128xi32, #tpu.memory_space<vmem>> -> memref<1x1x64xi32, #tpu.memory_space<vmem>>
      %dma_wait3A_119 = tpu.memref_squeeze %dma_wait3A_118 : memref<1x1x64xi32, #tpu.memory_space<vmem>> -> memref<64xi32, #tpu.memory_space<vmem>>
      %dma_wait3A_120 = arith.constant 0 : i32
      %dma_wait3A_121 = arith.constant 0 : i32
      %dma_wait3A_122 = tpu.memref_slice %arg2[%dma_wait3A_120, %dma_wait3A_121] : memref<20000x128xf32, #tpu.memory_space<hbm>> -> memref<20000x128xf32, #tpu.memory_space<hbm>>
      tpu.wait_indirect_dma semaphore(%arg11 : memref<!tpu.dma_semaphore, #tpu.memory_space<semaphore_mem>>) src(%dma_wait3A_122 : memref<20000x128xf32, #tpu.memory_space<hbm>>) dst(%dma_wait3A_116 : memref<64x128xf32, #tpu.memory_space<vmem>>)
      %dma_wait3A_123 = arith.constant 0 : i32
      %dma_wait3A_124 = arith.constant 64 : i32
      %dma_wait3A_125 = arith.constant 0 : i32
      %dma_wait3A_126 = tpu.memref_slice %arg8[%dma_wait3A_124, %dma_wait3A_125] : memref<128x128xf32, #tpu.memory_space<vmem>> -> memref<64x128xf32, #tpu.memory_space<vmem>>
      %dma_wait3A_127 = arith.constant 64 : i32
      %dma_wait3A_128 = tpu.memref_slice %arg6[%select_n3A_91, %dma_wait3A_123, %dma_wait3A_127] : memref<2x2x128xi32, #tpu.memory_space<vmem>> -> memref<1x1x64xi32, #tpu.memory_space<vmem>>
      %dma_wait3A_129 = tpu.memref_squeeze %dma_wait3A_128 : memref<1x1x64xi32, #tpu.memory_space<vmem>> -> memref<64xi32, #tpu.memory_space<vmem>>
      %dma_wait3A_130 = arith.constant 0 : i32
      %dma_wait3A_131 = arith.constant 0 : i32
      %dma_wait3A_132 = tpu.memref_slice %arg2[%dma_wait3A_130, %dma_wait3A_131] : memref<20000x128xf32, #tpu.memory_space<hbm>> -> memref<20000x128xf32, #tpu.memory_space<hbm>>
      tpu.wait_indirect_dma semaphore(%arg11 : memref<!tpu.dma_semaphore, #tpu.memory_space<semaphore_mem>>) src(%dma_wait3A_132 : memref<20000x128xf32, #tpu.memory_space<hbm>>) dst(%dma_wait3A_126 : memref<64x128xf32, #tpu.memory_space<vmem>>)
      %dma_start3A_133 = arith.constant 0 : i32
      %dma_start3A_134 = arith.constant 0 : i32
      %dma_start3A_135 = tpu.memref_slice %arg7[%select_n3A_91, %dma_start3A_133, %dma_start3A_134] : memref<2x2x128xi32, #tpu.memory_space<vmem>> -> memref<1x1x128xi32, #tpu.memory_space<vmem>>
      %dma_start3A_136 = tpu.memref_squeeze %dma_start3A_135 : memref<1x1x128xi32, #tpu.memory_space<vmem>> -> memref<128xi32, #tpu.memory_space<vmem>>
      %dma_start3A_137 = arith.constant 0 : i32
      %dma_start3A_138 = arith.constant 0 : i32
      %dma_start3A_139 = tpu.memref_slice %arg10[%dma_start3A_137, %dma_start3A_138] : memref<10112x128xf32, #tpu.memory_space<vmem_shared>> -> memref<10112x128xf32, #tpu.memory_space<vmem_shared>>
      tpu.enqueue_indirect_dma source(%arg8 : memref<128x128xf32, #tpu.memory_space<vmem>>) target(%dma_start3A_139 : memref<10112x128xf32, #tpu.memory_space<vmem_shared>>) offsets(%dma_start3A_136 : memref<128xi32, #tpu.memory_space<vmem>>) semaphore(%arg13 : memref<!tpu.dma_semaphore, #tpu.memory_space<semaphore_mem>>) {add = true}
      %dma_wait3A_140 = arith.constant 1 : i32
      %dma_wait3A_141 = arith.constant 0 : i32
      %dma_wait3A_142 = arith.constant 0 : i32
      %dma_wait3A_143 = tpu.memref_slice %arg9[%dma_wait3A_141, %dma_wait3A_142] : memref<128x128xf32, #tpu.memory_space<vmem>> -> memref<64x128xf32, #tpu.memory_space<vmem>>
      %dma_wait3A_144 = arith.constant 0 : i32
      %dma_wait3A_145 = tpu.memref_slice %arg6[%select_n3A_91, %dma_wait3A_140, %dma_wait3A_144] : memref<2x2x128xi32, #tpu.memory_space<vmem>> -> memref<1x1x64xi32, #tpu.memory_space<vmem>>
      %dma_wait3A_146 = tpu.memref_squeeze %dma_wait3A_145 : memref<1x1x64xi32, #tpu.memory_space<vmem>> -> memref<64xi32, #tpu.memory_space<vmem>>
      %dma_wait3A_147 = arith.constant 0 : i32
      %dma_wait3A_148 = arith.constant 0 : i32
      %dma_wait3A_149 = tpu.memref_slice %arg2[%dma_wait3A_147, %dma_wait3A_148] : memref<20000x128xf32, #tpu.memory_space<hbm>> -> memref<20000x128xf32, #tpu.memory_space<hbm>>
      tpu.wait_indirect_dma semaphore(%arg12 : memref<!tpu.dma_semaphore, #tpu.memory_space<semaphore_mem>>) src(%dma_wait3A_149 : memref<20000x128xf32, #tpu.memory_space<hbm>>) dst(%dma_wait3A_143 : memref<64x128xf32, #tpu.memory_space<vmem>>)
      %dma_wait3A_150 = arith.constant 1 : i32
      %dma_wait3A_151 = arith.constant 64 : i32
      %dma_wait3A_152 = arith.constant 0 : i32
      %dma_wait3A_153 = tpu.memref_slice %arg9[%dma_wait3A_151, %dma_wait3A_152] : memref<128x128xf32, #tpu.memory_space<vmem>> -> memref<64x128xf32, #tpu.memory_space<vmem>>
      %dma_wait3A_154 = arith.constant 64 : i32
      %dma_wait3A_155 = tpu.memref_slice %arg6[%select_n3A_91, %dma_wait3A_150, %dma_wait3A_154] : memref<2x2x128xi32, #tpu.memory_space<vmem>> -> memref<1x1x64xi32, #tpu.memory_space<vmem>>
      %dma_wait3A_156 = tpu.memref_squeeze %dma_wait3A_155 : memref<1x1x64xi32, #tpu.memory_space<vmem>> -> memref<64xi32, #tpu.memory_space<vmem>>
      %dma_wait3A_157 = arith.constant 0 : i32
      %dma_wait3A_158 = arith.constant 0 : i32
      %dma_wait3A_159 = tpu.memref_slice %arg2[%dma_wait3A_157, %dma_wait3A_158] : memref<20000x128xf32, #tpu.memory_space<hbm>> -> memref<20000x128xf32, #tpu.memory_space<hbm>>
      tpu.wait_indirect_dma semaphore(%arg12 : memref<!tpu.dma_semaphore, #tpu.memory_space<semaphore_mem>>) src(%dma_wait3A_159 : memref<20000x128xf32, #tpu.memory_space<hbm>>) dst(%dma_wait3A_153 : memref<64x128xf32, #tpu.memory_space<vmem>>)
      %dma_start3A_160 = arith.constant 1 : i32
      %dma_start3A_161 = arith.constant 0 : i32
      %dma_start3A_162 = tpu.memref_slice %arg7[%select_n3A_91, %dma_start3A_160, %dma_start3A_161] : memref<2x2x128xi32, #tpu.memory_space<vmem>> -> memref<1x1x128xi32, #tpu.memory_space<vmem>>
      %dma_start3A_163 = tpu.memref_squeeze %dma_start3A_162 : memref<1x1x128xi32, #tpu.memory_space<vmem>> -> memref<128xi32, #tpu.memory_space<vmem>>
      %dma_start3A_164 = arith.constant 0 : i32
      %dma_start3A_165 = arith.constant 0 : i32
      %dma_start3A_166 = tpu.memref_slice %arg10[%dma_start3A_164, %dma_start3A_165] : memref<10112x128xf32, #tpu.memory_space<vmem_shared>> -> memref<10112x128xf32, #tpu.memory_space<vmem_shared>>
      tpu.enqueue_indirect_dma source(%arg9 : memref<128x128xf32, #tpu.memory_space<vmem>>) target(%dma_start3A_166 : memref<10112x128xf32, #tpu.memory_space<vmem_shared>>) offsets(%dma_start3A_163 : memref<128xi32, #tpu.memory_space<vmem>>) semaphore(%arg14 : memref<!tpu.dma_semaphore, #tpu.memory_space<semaphore_mem>>) {add = true}
      %convert_element_type3A_167 = arith.extui %lt3A_112 : i1 to i32
      %cond3A_168 = arith.constant 0 : i32
      %cond3A_169 = arith.cmpi ne, %convert_element_type3A_167, %cond3A_168 : i32
      scf.if %cond3A_169 {
        %mul3A_174 = arith.constant 61 : i32
        %mul3A_175 = arith.muli %add3A, %mul3A_174 : i32
        %add3A_176 = arith.addi %mul3A_175, %while3A_80 : i32
        %add3A_177 = arith.constant 1 : i32
        %add3A_178 = arith.addi %add3A_176, %add3A_177 : i32
        %dma_wait3A_179 = arith.constant 0 : i32
        %dma_wait3A_180 = arith.constant 0 : i32
        %dma_wait3A_181 = tpu.memref_slice %arg6[%select_n3A_109, %dma_wait3A_179, %dma_wait3A_180] : memref<2x2x128xi32, #tpu.memory_space<vmem>> -> memref<1x2x128xi32, #tpu.memory_space<vmem>>
        %dma_wait3A_182 = tpu.memref_squeeze %dma_wait3A_181 : memref<1x2x128xi32, #tpu.memory_space<vmem>> -> memref<2x128xi32, #tpu.memory_space<vmem>>
        %dma_wait3A_183 = arith.constant 0 : i32
        %dma_wait3A_184 = arith.constant 0 : i32
        %dma_wait3A_185 = tpu.memref_slice %arg3[%add3A_178, %dma_wait3A_183, %dma_wait3A_184] : memref<1952x2x128xi32, #tpu.memory_space<hbm>> -> memref<1x2x128xi32, #tpu.memory_space<hbm>>
        %dma_wait3A_186 = tpu.memref_squeeze %dma_wait3A_185 : memref<1x2x128xi32, #tpu.memory_space<hbm>> -> memref<2x128xi32, #tpu.memory_space<hbm>>
        %dma_wait3A_187 = arith.constant 0 : i32
        %dma_wait3A_188 = arith.constant 0 : i32
        %dma_wait3A_189 = tpu.memref_slice %arg6[%select_n3A_109, %dma_wait3A_187, %dma_wait3A_188] : memref<2x2x128xi32, #tpu.memory_space<vmem>> -> memref<1x2x128xi32, #tpu.memory_space<vmem>>
        %dma_wait3A_190 = tpu.memref_squeeze %dma_wait3A_189 : memref<1x2x128xi32, #tpu.memory_space<vmem>> -> memref<2x128xi32, #tpu.memory_space<vmem>>
        %dma_wait3A_191 = arith.constant 0 : i32
        %dma_wait3A_192 = arith.constant 0 : i32
        %dma_wait3A_193 = tpu.memref_slice %arg3[%add3A_178, %dma_wait3A_191, %dma_wait3A_192] : memref<1952x2x128xi32, #tpu.memory_space<hbm>> -> memref<1x2x128xi32, #tpu.memory_space<hbm>>
        %dma_wait3A_194 = tpu.memref_squeeze %dma_wait3A_193 : memref<1x2x128xi32, #tpu.memory_space<hbm>> -> memref<2x128xi32, #tpu.memory_space<hbm>>
        tpu.wait_dma2 semaphore(%arg15 : memref<!tpu.dma_semaphore, #tpu.memory_space<semaphore_mem>>) src(%dma_wait3A_194 : memref<2x128xi32, #tpu.memory_space<hbm>>) dst(%dma_wait3A_190 : memref<2x128xi32, #tpu.memory_space<vmem>>)
        %mul3A_195 = arith.constant 61 : i32
        %mul3A_196 = arith.muli %add3A, %mul3A_195 : i32
        %add3A_197 = arith.addi %mul3A_196, %while3A_80 : i32
        %add3A_198 = arith.constant 1 : i32
        %add3A_199 = arith.addi %add3A_197, %add3A_198 : i32
        %dma_wait3A_200 = arith.constant 0 : i32
        %dma_wait3A_201 = arith.constant 0 : i32
        %dma_wait3A_202 = tpu.memref_slice %arg7[%select_n3A_109, %dma_wait3A_200, %dma_wait3A_201] : memref<2x2x128xi32, #tpu.memory_space<vmem>> -> memref<1x2x128xi32, #tpu.memory_space<vmem>>
        %dma_wait3A_203 = tpu.memref_squeeze %dma_wait3A_202 : memref<1x2x128xi32, #tpu.memory_space<vmem>> -> memref<2x128xi32, #tpu.memory_space<vmem>>
        %dma_wait3A_204 = arith.constant 0 : i32
        %dma_wait3A_205 = arith.constant 0 : i32
        %dma_wait3A_206 = tpu.memref_slice %arg4[%add3A_199, %dma_wait3A_204, %dma_wait3A_205] : memref<1952x2x128xi32, #tpu.memory_space<hbm>> -> memref<1x2x128xi32, #tpu.memory_space<hbm>>
        %dma_wait3A_207 = tpu.memref_squeeze %dma_wait3A_206 : memref<1x2x128xi32, #tpu.memory_space<hbm>> -> memref<2x128xi32, #tpu.memory_space<hbm>>
        %dma_wait3A_208 = arith.constant 0 : i32
        %dma_wait3A_209 = arith.constant 0 : i32
        %dma_wait3A_210 = tpu.memref_slice %arg7[%select_n3A_109, %dma_wait3A_208, %dma_wait3A_209] : memref<2x2x128xi32, #tpu.memory_space<vmem>> -> memref<1x2x128xi32, #tpu.memory_space<vmem>>
        %dma_wait3A_211 = tpu.memref_squeeze %dma_wait3A_210 : memref<1x2x128xi32, #tpu.memory_space<vmem>> -> memref<2x128xi32, #tpu.memory_space<vmem>>
        %dma_wait3A_212 = arith.constant 0 : i32
        %dma_wait3A_213 = arith.constant 0 : i32
        %dma_wait3A_214 = tpu.memref_slice %arg4[%add3A_199, %dma_wait3A_212, %dma_wait3A_213] : memref<1952x2x128xi32, #tpu.memory_space<hbm>> -> memref<1x2x128xi32, #tpu.memory_space<hbm>>
        %dma_wait3A_215 = tpu.memref_squeeze %dma_wait3A_214 : memref<1x2x128xi32, #tpu.memory_space<hbm>> -> memref<2x128xi32, #tpu.memory_space<hbm>>
        tpu.wait_dma2 semaphore(%arg15 : memref<!tpu.dma_semaphore, #tpu.memory_space<semaphore_mem>>) src(%dma_wait3A_215 : memref<2x128xi32, #tpu.memory_space<hbm>>) dst(%dma_wait3A_211 : memref<2x128xi32, #tpu.memory_space<vmem>>)
        %dma_wait3A_216 = arith.constant 0 : i32
        %dma_wait3A_217 = arith.constant 0 : i32
        %dma_wait3A_218 = tpu.memref_slice %arg7[%select_n3A_91, %dma_wait3A_216, %dma_wait3A_217] : memref<2x2x128xi32, #tpu.memory_space<vmem>> -> memref<1x1x128xi32, #tpu.memory_space<vmem>>
        %dma_wait3A_219 = tpu.memref_squeeze %dma_wait3A_218 : memref<1x1x128xi32, #tpu.memory_space<vmem>> -> memref<128xi32, #tpu.memory_space<vmem>>
        %dma_wait3A_220 = arith.constant 0 : i32
        %dma_wait3A_221 = arith.constant 0 : i32
        %dma_wait3A_222 = tpu.memref_slice %arg10[%dma_wait3A_220, %dma_wait3A_221] : memref<10112x128xf32, #tpu.memory_space<vmem_shared>> -> memref<10112x128xf32, #tpu.memory_space<vmem_shared>>
        tpu.wait_indirect_dma semaphore(%arg13 : memref<!tpu.dma_semaphore, #tpu.memory_space<semaphore_mem>>) src(%arg8 : memref<128x128xf32, #tpu.memory_space<vmem>>) dst(%dma_wait3A_222 : memref<10112x128xf32, #tpu.memory_space<vmem_shared>>)
        %dma_start3A_223 = arith.constant 0 : i32
        %dma_start3A_224 = arith.constant 0 : i32
        %dma_start3A_225 = arith.constant 0 : i32
        %dma_start3A_226 = tpu.memref_slice %arg8[%dma_start3A_224, %dma_start3A_225] : memref<128x128xf32, #tpu.memory_space<vmem>> -> memref<64x128xf32, #tpu.memory_space<vmem>>
        %dma_start3A_227 = arith.constant 0 : i32
        %dma_start3A_228 = tpu.memref_slice %arg6[%select_n3A_109, %dma_start3A_223, %dma_start3A_227] : memref<2x2x128xi32, #tpu.memory_space<vmem>> -> memref<1x1x64xi32, #tpu.memory_space<vmem>>
        %dma_start3A_229 = tpu.memref_squeeze %dma_start3A_228 : memref<1x1x64xi32, #tpu.memory_space<vmem>> -> memref<64xi32, #tpu.memory_space<vmem>>
        %dma_start3A_230 = arith.constant 0 : i32
        %dma_start3A_231 = arith.constant 0 : i32
        %dma_start3A_232 = tpu.memref_slice %arg2[%dma_start3A_230, %dma_start3A_231] : memref<20000x128xf32, #tpu.memory_space<hbm>> -> memref<20000x128xf32, #tpu.memory_space<hbm>>
        tpu.enqueue_indirect_dma source(%dma_start3A_232 : memref<20000x128xf32, #tpu.memory_space<hbm>>) target(%dma_start3A_226 : memref<64x128xf32, #tpu.memory_space<vmem>>) offsets(%dma_start3A_229 : memref<64xi32, #tpu.memory_space<vmem>>) semaphore(%arg11 : memref<!tpu.dma_semaphore, #tpu.memory_space<semaphore_mem>>)
        %dma_start3A_233 = arith.constant 0 : i32
        %dma_start3A_234 = arith.constant 64 : i32
        %dma_start3A_235 = arith.constant 0 : i32
        %dma_start3A_236 = tpu.memref_slice %arg8[%dma_start3A_234, %dma_start3A_235] : memref<128x128xf32, #tpu.memory_space<vmem>> -> memref<64x128xf32, #tpu.memory_space<vmem>>
        %dma_start3A_237 = arith.constant 64 : i32
        %dma_start3A_238 = tpu.memref_slice %arg6[%select_n3A_109, %dma_start3A_233, %dma_start3A_237] : memref<2x2x128xi32, #tpu.memory_space<vmem>> -> memref<1x1x64xi32, #tpu.memory_space<vmem>>
        %dma_start3A_239 = tpu.memref_squeeze %dma_start3A_238 : memref<1x1x64xi32, #tpu.memory_space<vmem>> -> memref<64xi32, #tpu.memory_space<vmem>>
        %dma_start3A_240 = arith.constant 0 : i32
        %dma_start3A_241 = arith.constant 0 : i32
        %dma_start3A_242 = tpu.memref_slice %arg2[%dma_start3A_240, %dma_start3A_241] : memref<20000x128xf32, #tpu.memory_space<hbm>> -> memref<20000x128xf32, #tpu.memory_space<hbm>>
        tpu.enqueue_indirect_dma source(%dma_start3A_242 : memref<20000x128xf32, #tpu.memory_space<hbm>>) target(%dma_start3A_236 : memref<64x128xf32, #tpu.memory_space<vmem>>) offsets(%dma_start3A_239 : memref<64xi32, #tpu.memory_space<vmem>>) semaphore(%arg11 : memref<!tpu.dma_semaphore, #tpu.memory_space<semaphore_mem>>)
        %dma_wait3A_243 = arith.constant 1 : i32
        %dma_wait3A_244 = arith.constant 0 : i32
        %dma_wait3A_245 = tpu.memref_slice %arg7[%select_n3A_91, %dma_wait3A_243, %dma_wait3A_244] : memref<2x2x128xi32, #tpu.memory_space<vmem>> -> memref<1x1x128xi32, #tpu.memory_space<vmem>>
        %dma_wait3A_246 = tpu.memref_squeeze %dma_wait3A_245 : memref<1x1x128xi32, #tpu.memory_space<vmem>> -> memref<128xi32, #tpu.memory_space<vmem>>
        %dma_wait3A_247 = arith.constant 0 : i32
        %dma_wait3A_248 = arith.constant 0 : i32
        %dma_wait3A_249 = tpu.memref_slice %arg10[%dma_wait3A_247, %dma_wait3A_248] : memref<10112x128xf32, #tpu.memory_space<vmem_shared>> -> memref<10112x128xf32, #tpu.memory_space<vmem_shared>>
        tpu.wait_indirect_dma semaphore(%arg14 : memref<!tpu.dma_semaphore, #tpu.memory_space<semaphore_mem>>) src(%arg9 : memref<128x128xf32, #tpu.memory_space<vmem>>) dst(%dma_wait3A_249 : memref<10112x128xf32, #tpu.memory_space<vmem_shared>>)
        %dma_start3A_250 = arith.constant 1 : i32
        %dma_start3A_251 = arith.constant 0 : i32
        %dma_start3A_252 = arith.constant 0 : i32
        %dma_start3A_253 = tpu.memref_slice %arg9[%dma_start3A_251, %dma_start3A_252] : memref<128x128xf32, #tpu.memory_space<vmem>> -> memref<64x128xf32, #tpu.memory_space<vmem>>
        %dma_start3A_254 = arith.constant 0 : i32
        %dma_start3A_255 = tpu.memref_slice %arg6[%select_n3A_109, %dma_start3A_250, %dma_start3A_254] : memref<2x2x128xi32, #tpu.memory_space<vmem>> -> memref<1x1x64xi32, #tpu.memory_space<vmem>>
        %dma_start3A_256 = tpu.memref_squeeze %dma_start3A_255 : memref<1x1x64xi32, #tpu.memory_space<vmem>> -> memref<64xi32, #tpu.memory_space<vmem>>
        %dma_start3A_257 = arith.constant 0 : i32
        %dma_start3A_258 = arith.constant 0 : i32
        %dma_start3A_259 = tpu.memref_slice %arg2[%dma_start3A_257, %dma_start3A_258] : memref<20000x128xf32, #tpu.memory_space<hbm>> -> memref<20000x128xf32, #tpu.memory_space<hbm>>
        tpu.enqueue_indirect_dma source(%dma_start3A_259 : memref<20000x128xf32, #tpu.memory_space<hbm>>) target(%dma_start3A_253 : memref<64x128xf32, #tpu.memory_space<vmem>>) offsets(%dma_start3A_256 : memref<64xi32, #tpu.memory_space<vmem>>) semaphore(%arg12 : memref<!tpu.dma_semaphore, #tpu.memory_space<semaphore_mem>>)
        %dma_start3A_260 = arith.constant 1 : i32
        %dma_start3A_261 = arith.constant 64 : i32
        %dma_start3A_262 = arith.constant 0 : i32
        %dma_start3A_263 = tpu.memref_slice %arg9[%dma_start3A_261, %dma_start3A_262] : memref<128x128xf32, #tpu.memory_space<vmem>> -> memref<64x128xf32, #tpu.memory_space<vmem>>
        %dma_start3A_264 = arith.constant 64 : i32
        %dma_start3A_265 = tpu.memref_slice %arg6[%select_n3A_109, %dma_start3A_260, %dma_start3A_264] : memref<2x2x128xi32, #tpu.memory_space<vmem>> -> memref<1x1x64xi32, #tpu.memory_space<vmem>>
        %dma_start3A_266 = tpu.memref_squeeze %dma_start3A_265 : memref<1x1x64xi32, #tpu.memory_space<vmem>> -> memref<64xi32, #tpu.memory_space<vmem>>
        %dma_start3A_267 = arith.constant 0 : i32
        %dma_start3A_268 = arith.constant 0 : i32
        %dma_start3A_269 = tpu.memref_slice %arg2[%dma_start3A_267, %dma_start3A_268] : memref<20000x128xf32, #tpu.memory_space<hbm>> -> memref<20000x128xf32, #tpu.memory_space<hbm>>
        tpu.enqueue_indirect_dma source(%dma_start3A_269 : memref<20000x128xf32, #tpu.memory_space<hbm>>) target(%dma_start3A_263 : memref<64x128xf32, #tpu.memory_space<vmem>>) offsets(%dma_start3A_266 : memref<64xi32, #tpu.memory_space<vmem>>) semaphore(%arg12 : memref<!tpu.dma_semaphore, #tpu.memory_space<semaphore_mem>>)
      } else {
      }
      %not3A = arith.constant true
      %not3A_170 = arith.xori %lt3A_112, %not3A : i1
      %convert_element_type3A_171 = arith.extui %not3A_170 : i1 to i32
      %cond3A_172 = arith.constant 0 : i32
      %cond3A_173 = arith.cmpi ne, %convert_element_type3A_171, %cond3A_172 : i32
      scf.if %cond3A_173 {
        %dma_wait3A_174 = arith.constant 0 : i32
        %dma_wait3A_175 = arith.constant 0 : i32
        %dma_wait3A_176 = tpu.memref_slice %arg7[%select_n3A_91, %dma_wait3A_174, %dma_wait3A_175] : memref<2x2x128xi32, #tpu.memory_space<vmem>> -> memref<1x1x128xi32, #tpu.memory_space<vmem>>
        %dma_wait3A_177 = tpu.memref_squeeze %dma_wait3A_176 : memref<1x1x128xi32, #tpu.memory_space<vmem>> -> memref<128xi32, #tpu.memory_space<vmem>>
        %dma_wait3A_178 = arith.constant 0 : i32
        %dma_wait3A_179 = arith.constant 0 : i32
        %dma_wait3A_180 = tpu.memref_slice %arg10[%dma_wait3A_178, %dma_wait3A_179] : memref<10112x128xf32, #tpu.memory_space<vmem_shared>> -> memref<10112x128xf32, #tpu.memory_space<vmem_shared>>
        tpu.wait_indirect_dma semaphore(%arg13 : memref<!tpu.dma_semaphore, #tpu.memory_space<semaphore_mem>>) src(%arg8 : memref<128x128xf32, #tpu.memory_space<vmem>>) dst(%dma_wait3A_180 : memref<10112x128xf32, #tpu.memory_space<vmem_shared>>)
        %dma_wait3A_181 = arith.constant 1 : i32
        %dma_wait3A_182 = arith.constant 0 : i32
        %dma_wait3A_183 = tpu.memref_slice %arg7[%select_n3A_91, %dma_wait3A_181, %dma_wait3A_182] : memref<2x2x128xi32, #tpu.memory_space<vmem>> -> memref<1x1x128xi32, #tpu.memory_space<vmem>>
        %dma_wait3A_184 = tpu.memref_squeeze %dma_wait3A_183 : memref<1x1x128xi32, #tpu.memory_space<vmem>> -> memref<128xi32, #tpu.memory_space<vmem>>
        %dma_wait3A_185 = arith.constant 0 : i32
        %dma_wait3A_186 = arith.constant 0 : i32
        %dma_wait3A_187 = tpu.memref_slice %arg10[%dma_wait3A_185, %dma_wait3A_186] : memref<10112x128xf32, #tpu.memory_space<vmem_shared>> -> memref<10112x128xf32, #tpu.memory_space<vmem_shared>>
        tpu.wait_indirect_dma semaphore(%arg14 : memref<!tpu.dma_semaphore, #tpu.memory_space<semaphore_mem>>) src(%arg9 : memref<128x128xf32, #tpu.memory_space<vmem>>) dst(%dma_wait3A_187 : memref<10112x128xf32, #tpu.memory_space<vmem_shared>>)
      } else {
      }
    }
    %while3A_78 = arith.constant 1 : i32
    scf.for %while3A_80 = %while3A_76 to %while3A_72 step %while3A_78  : i32 {
      %jit3A = arith.constant 2 : i32
      %eq3A_81 = arith.constant 0 : i32
      %eq3A_82 = arith.cmpi eq, %jit3A, %eq3A_81 : i32
      %jit3A_83 = arith.constant 1 : i32
      %select_n3A_84 = arith.select %eq3A_82, %jit3A_83, %jit3A : i32
      %rem3A = arith.remsi %while3A_80, %select_n3A_84 : i32
      %ne3A = arith.constant 0 : i32
      %ne3A_85 = arith.cmpi ne, %rem3A, %ne3A : i32
      %lt3A = arith.constant 0 : i32
      %lt3A_86 = arith.cmpi slt, %rem3A, %lt3A : i32
      %lt3A_87 = arith.constant 0 : i32
      %lt3A_88 = arith.cmpi slt, %select_n3A_84, %lt3A_87 : i32
      %ne3A_89 = arith.xori %lt3A_86, %lt3A_88 : i1
      %and3A = arith.andi %ne3A_89, %ne3A_85 : i1
      %add3A_90 = arith.addi %rem3A, %select_n3A_84 : i32
      %select_n3A_91 = arith.select %and3A, %add3A_90, %rem3A : i32
      %add3A_92 = arith.constant 1 : i32
      %add3A_93 = arith.addi %while3A_80, %add3A_92 : i32
      %jit3A_94 = arith.constant 2 : i32
      %eq3A_95 = arith.constant 0 : i32
      %eq3A_96 = arith.cmpi eq, %jit3A_94, %eq3A_95 : i32
      %jit3A_97 = arith.constant 1 : i32
      %select_n3A_98 = arith.select %eq3A_96, %jit3A_97, %jit3A_94 : i32
      %rem3A_99 = arith.remsi %add3A_93, %select_n3A_98 : i32
      %ne3A_100 = arith.constant 0 : i32
      %ne3A_101 = arith.cmpi ne, %rem3A_99, %ne3A_100 : i32
      %lt3A_102 = arith.constant 0 : i32
      %lt3A_103 = arith.cmpi slt, %rem3A_99, %lt3A_102 : i32
      %lt3A_104 = arith.constant 0 : i32
      %lt3A_105 = arith.cmpi slt, %select_n3A_98, %lt3A_104 : i32
      %ne3A_106 = arith.xori %lt3A_103, %lt3A_105 : i1
      %and3A_107 = arith.andi %ne3A_106, %ne3A_101 : i1
      %add3A_108 = arith.addi %rem3A_99, %select_n3A_98 : i32
      %select_n3A_109 = arith.select %and3A_107, %add3A_108, %rem3A_99 : i32
      %add3A_110 = arith.constant 1 : i32
      %add3A_111 = arith.addi %while3A_80, %add3A_110 : i32
      %lt3A_112 = arith.cmpi slt, %add3A_111, %select_n3A_3 : i32
      %convert_element_type3A = arith.extui %lt3A_112 : i1 to i32
      %cond3A = arith.constant 0 : i32
      %cond3A_113 = arith.cmpi ne, %convert_element_type3A, %cond3A : i32
      scf.if %cond3A_113 {
        %mul3A_174 = arith.constant 61 : i32
        %mul3A_175 = arith.muli %add3A, %mul3A_174 : i32
        %add3A_176 = arith.addi %mul3A_175, %while3A_80 : i32
        %add3A_177 = arith.constant 1 : i32
        %add3A_178 = arith.addi %add3A_176, %add3A_177 : i32
        %dma_start3A_179 = arith.constant 0 : i32
        %dma_start3A_180 = arith.constant 0 : i32
        %dma_start3A_181 = tpu.memref_slice %arg6[%select_n3A_109, %dma_start3A_179, %dma_start3A_180] : memref<2x2x128xi32, #tpu.memory_space<vmem>> -> memref<1x2x128xi32, #tpu.memory_space<vmem>>
        %dma_start3A_182 = tpu.memref_squeeze %dma_start3A_181 : memref<1x2x128xi32, #tpu.memory_space<vmem>> -> memref<2x128xi32, #tpu.memory_space<vmem>>
        %dma_start3A_183 = arith.constant 0 : i32
        %dma_start3A_184 = arith.constant 0 : i32
        %dma_start3A_185 = tpu.memref_slice %arg3[%add3A_178, %dma_start3A_183, %dma_start3A_184] : memref<1952x2x128xi32, #tpu.memory_space<hbm>> -> memref<1x2x128xi32, #tpu.memory_space<hbm>>
        %dma_start3A_186 = tpu.memref_squeeze %dma_start3A_185 : memref<1x2x128xi32, #tpu.memory_space<hbm>> -> memref<2x128xi32, #tpu.memory_space<hbm>>
        %dma_start3A_187 = arith.constant 0 : i32
        %dma_start3A_188 = arith.constant 0 : i32
        %dma_start3A_189 = tpu.memref_slice %arg6[%select_n3A_109, %dma_start3A_187, %dma_start3A_188] : memref<2x2x128xi32, #tpu.memory_space<vmem>> -> memref<1x2x128xi32, #tpu.memory_space<vmem>>
        %dma_start3A_190 = tpu.memref_squeeze %dma_start3A_189 : memref<1x2x128xi32, #tpu.memory_space<vmem>> -> memref<2x128xi32, #tpu.memory_space<vmem>>
        %dma_start3A_191 = arith.constant 0 : i32
        %dma_start3A_192 = arith.constant 0 : i32
        %dma_start3A_193 = tpu.memref_slice %arg3[%add3A_178, %dma_start3A_191, %dma_start3A_192] : memref<1952x2x128xi32, #tpu.memory_space<hbm>> -> memref<1x2x128xi32, #tpu.memory_space<hbm>>
        %dma_start3A_194 = tpu.memref_squeeze %dma_start3A_193 : memref<1x2x128xi32, #tpu.memory_space<hbm>> -> memref<2x128xi32, #tpu.memory_space<hbm>>
        tpu.enqueue_dma source(%dma_start3A_194 : memref<2x128xi32, #tpu.memory_space<hbm>>) target(%dma_start3A_190 : memref<2x128xi32, #tpu.memory_space<vmem>>) target_semaphore(%arg15 : memref<!tpu.dma_semaphore, #tpu.memory_space<semaphore_mem>>)
        %mul3A_195 = arith.constant 61 : i32
        %mul3A_196 = arith.muli %add3A, %mul3A_195 : i32
        %add3A_197 = arith.addi %mul3A_196, %while3A_80 : i32
        %add3A_198 = arith.constant 1 : i32
        %add3A_199 = arith.addi %add3A_197, %add3A_198 : i32
        %dma_start3A_200 = arith.constant 0 : i32
        %dma_start3A_201 = arith.constant 0 : i32
        %dma_start3A_202 = tpu.memref_slice %arg7[%select_n3A_109, %dma_start3A_200, %dma_start3A_201] : memref<2x2x128xi32, #tpu.memory_space<vmem>> -> memref<1x2x128xi32, #tpu.memory_space<vmem>>
        %dma_start3A_203 = tpu.memref_squeeze %dma_start3A_202 : memref<1x2x128xi32, #tpu.memory_space<vmem>> -> memref<2x128xi32, #tpu.memory_space<vmem>>
        %dma_start3A_204 = arith.constant 0 : i32
        %dma_start3A_205 = arith.constant 0 : i32
        %dma_start3A_206 = tpu.memref_slice %arg4[%add3A_199, %dma_start3A_204, %dma_start3A_205] : memref<1952x2x128xi32, #tpu.memory_space<hbm>> -> memref<1x2x128xi32, #tpu.memory_space<hbm>>
        %dma_start3A_207 = tpu.memref_squeeze %dma_start3A_206 : memref<1x2x128xi32, #tpu.memory_space<hbm>> -> memref<2x128xi32, #tpu.memory_space<hbm>>
        %dma_start3A_208 = arith.constant 0 : i32
        %dma_start3A_209 = arith.constant 0 : i32
        %dma_start3A_210 = tpu.memref_slice %arg7[%select_n3A_109, %dma_start3A_208, %dma_start3A_209] : memref<2x2x128xi32, #tpu.memory_space<vmem>> -> memref<1x2x128xi32, #tpu.memory_space<vmem>>
        %dma_start3A_211 = tpu.memref_squeeze %dma_start3A_210 : memref<1x2x128xi32, #tpu.memory_space<vmem>> -> memref<2x128xi32, #tpu.memory_space<vmem>>
        %dma_start3A_212 = arith.constant 0 : i32
        %dma_start3A_213 = arith.constant 0 : i32
        %dma_start3A_214 = tpu.memref_slice %arg4[%add3A_199, %dma_start3A_212, %dma_start3A_213] : memref<1952x2x128xi32, #tpu.memory_space<hbm>> -> memref<1x2x128xi32, #tpu.memory_space<hbm>>
        %dma_start3A_215 = tpu.memref_squeeze %dma_start3A_214 : memref<1x2x128xi32, #tpu.memory_space<hbm>> -> memref<2x128xi32, #tpu.memory_space<hbm>>
        tpu.enqueue_dma source(%dma_start3A_215 : memref<2x128xi32, #tpu.memory_space<hbm>>) target(%dma_start3A_211 : memref<2x128xi32, #tpu.memory_space<vmem>>) target_semaphore(%arg15 : memref<!tpu.dma_semaphore, #tpu.memory_space<semaphore_mem>>)
      } else {
      }
      %dma_wait3A = arith.constant 0 : i32
      %dma_wait3A_114 = arith.constant 0 : i32
      %dma_wait3A_115 = arith.constant 0 : i32
      %dma_wait3A_116 = tpu.memref_slice %arg8[%dma_wait3A_114, %dma_wait3A_115] : memref<128x128xf32, #tpu.memory_space<vmem>> -> memref<64x128xf32, #tpu.memory_space<vmem>>
      %dma_wait3A_117 = arith.constant 0 : i32
      %dma_wait3A_118 = tpu.memref_slice %arg6[%select_n3A_91, %dma_wait3A, %dma_wait3A_117] : memref<2x2x128xi32, #tpu.memory_space<vmem>> -> memref<1x1x64xi32, #tpu.memory_space<vmem>>
      %dma_wait3A_119 = tpu.memref_squeeze %dma_wait3A_118 : memref<1x1x64xi32, #tpu.memory_space<vmem>> -> memref<64xi32, #tpu.memory_space<vmem>>
      %dma_wait3A_120 = arith.constant 0 : i32
      %dma_wait3A_121 = arith.constant 0 : i32
      %dma_wait3A_122 = tpu.memref_slice %arg2[%dma_wait3A_120, %dma_wait3A_121] : memref<20000x128xf32, #tpu.memory_space<hbm>> -> memref<20000x128xf32, #tpu.memory_space<hbm>>
      tpu.wait_indirect_dma semaphore(%arg11 : memref<!tpu.dma_semaphore, #tpu.memory_space<semaphore_mem>>) src(%dma_wait3A_122 : memref<20000x128xf32, #tpu.memory_space<hbm>>) dst(%dma_wait3A_116 : memref<64x128xf32, #tpu.memory_space<vmem>>)
      %dma_wait3A_123 = arith.constant 0 : i32
      %dma_wait3A_124 = arith.constant 64 : i32
      %dma_wait3A_125 = arith.constant 0 : i32
      %dma_wait3A_126 = tpu.memref_slice %arg8[%dma_wait3A_124, %dma_wait3A_125] : memref<128x128xf32, #tpu.memory_space<vmem>> -> memref<64x128xf32, #tpu.memory_space<vmem>>
      %dma_wait3A_127 = arith.constant 64 : i32
      %dma_wait3A_128 = tpu.memref_slice %arg6[%select_n3A_91, %dma_wait3A_123, %dma_wait3A_127] : memref<2x2x128xi32, #tpu.memory_space<vmem>> -> memref<1x1x64xi32, #tpu.memory_space<vmem>>
      %dma_wait3A_129 = tpu.memref_squeeze %dma_wait3A_128 : memref<1x1x64xi32, #tpu.memory_space<vmem>> -> memref<64xi32, #tpu.memory_space<vmem>>
      %dma_wait3A_130 = arith.constant 0 : i32
      %dma_wait3A_131 = arith.constant 0 : i32
      %dma_wait3A_132 = tpu.memref_slice %arg2[%dma_wait3A_130, %dma_wait3A_131] : memref<20000x128xf32, #tpu.memory_space<hbm>> -> memref<20000x128xf32, #tpu.memory_space<hbm>>
      tpu.wait_indirect_dma semaphore(%arg11 : memref<!tpu.dma_semaphore, #tpu.memory_space<semaphore_mem>>) src(%dma_wait3A_132 : memref<20000x128xf32, #tpu.memory_space<hbm>>) dst(%dma_wait3A_126 : memref<64x128xf32, #tpu.memory_space<vmem>>)
      %dma_start3A_133 = arith.constant 0 : i32
      %dma_start3A_134 = arith.constant 0 : i32
      %dma_start3A_135 = tpu.memref_slice %arg7[%select_n3A_91, %dma_start3A_133, %dma_start3A_134] : memref<2x2x128xi32, #tpu.memory_space<vmem>> -> memref<1x1x128xi32, #tpu.memory_space<vmem>>
      %dma_start3A_136 = tpu.memref_squeeze %dma_start3A_135 : memref<1x1x128xi32, #tpu.memory_space<vmem>> -> memref<128xi32, #tpu.memory_space<vmem>>
      %dma_start3A_137 = arith.constant 0 : i32
      %dma_start3A_138 = arith.constant 0 : i32
      %dma_start3A_139 = tpu.memref_slice %arg10[%dma_start3A_137, %dma_start3A_138] : memref<10112x128xf32, #tpu.memory_space<vmem_shared>> -> memref<10112x128xf32, #tpu.memory_space<vmem_shared>>
      tpu.enqueue_indirect_dma source(%arg8 : memref<128x128xf32, #tpu.memory_space<vmem>>) target(%dma_start3A_139 : memref<10112x128xf32, #tpu.memory_space<vmem_shared>>) offsets(%dma_start3A_136 : memref<128xi32, #tpu.memory_space<vmem>>) semaphore(%arg13 : memref<!tpu.dma_semaphore, #tpu.memory_space<semaphore_mem>>) {add = true}
      %dma_wait3A_140 = arith.constant 1 : i32
      %dma_wait3A_141 = arith.constant 0 : i32
      %dma_wait3A_142 = arith.constant 0 : i32
      %dma_wait3A_143 = tpu.memref_slice %arg9[%dma_wait3A_141, %dma_wait3A_142] : memref<128x128xf32, #tpu.memory_space<vmem>> -> memref<64x128xf32, #tpu.memory_space<vmem>>
      %dma_wait3A_144 = arith.constant 0 : i32
      %dma_wait3A_145 = tpu.memref_slice %arg6[%select_n3A_91, %dma_wait3A_140, %dma_wait3A_144] : memref<2x2x128xi32, #tpu.memory_space<vmem>> -> memref<1x1x64xi32, #tpu.memory_space<vmem>>
      %dma_wait3A_146 = tpu.memref_squeeze %dma_wait3A_145 : memref<1x1x64xi32, #tpu.memory_space<vmem>> -> memref<64xi32, #tpu.memory_space<vmem>>
      %dma_wait3A_147 = arith.constant 0 : i32
      %dma_wait3A_148 = arith.constant 0 : i32
      %dma_wait3A_149 = tpu.memref_slice %arg2[%dma_wait3A_147, %dma_wait3A_148] : memref<20000x128xf32, #tpu.memory_space<hbm>> -> memref<20000x128xf32, #tpu.memory_space<hbm>>
      tpu.wait_indirect_dma semaphore(%arg12 : memref<!tpu.dma_semaphore, #tpu.memory_space<semaphore_mem>>) src(%dma_wait3A_149 : memref<20000x128xf32, #tpu.memory_space<hbm>>) dst(%dma_wait3A_143 : memref<64x128xf32, #tpu.memory_space<vmem>>)
      %dma_wait3A_150 = arith.constant 1 : i32
      %dma_wait3A_151 = arith.constant 64 : i32
      %dma_wait3A_152 = arith.constant 0 : i32
      %dma_wait3A_153 = tpu.memref_slice %arg9[%dma_wait3A_151, %dma_wait3A_152] : memref<128x128xf32, #tpu.memory_space<vmem>> -> memref<64x128xf32, #tpu.memory_space<vmem>>
      %dma_wait3A_154 = arith.constant 64 : i32
      %dma_wait3A_155 = tpu.memref_slice %arg6[%select_n3A_91, %dma_wait3A_150, %dma_wait3A_154] : memref<2x2x128xi32, #tpu.memory_space<vmem>> -> memref<1x1x64xi32, #tpu.memory_space<vmem>>
      %dma_wait3A_156 = tpu.memref_squeeze %dma_wait3A_155 : memref<1x1x64xi32, #tpu.memory_space<vmem>> -> memref<64xi32, #tpu.memory_space<vmem>>
      %dma_wait3A_157 = arith.constant 0 : i32
      %dma_wait3A_158 = arith.constant 0 : i32
      %dma_wait3A_159 = tpu.memref_slice %arg2[%dma_wait3A_157, %dma_wait3A_158] : memref<20000x128xf32, #tpu.memory_space<hbm>> -> memref<20000x128xf32, #tpu.memory_space<hbm>>
      tpu.wait_indirect_dma semaphore(%arg12 : memref<!tpu.dma_semaphore, #tpu.memory_space<semaphore_mem>>) src(%dma_wait3A_159 : memref<20000x128xf32, #tpu.memory_space<hbm>>) dst(%dma_wait3A_153 : memref<64x128xf32, #tpu.memory_space<vmem>>)
      %dma_start3A_160 = arith.constant 1 : i32
      %dma_start3A_161 = arith.constant 0 : i32
      %dma_start3A_162 = tpu.memref_slice %arg7[%select_n3A_91, %dma_start3A_160, %dma_start3A_161] : memref<2x2x128xi32, #tpu.memory_space<vmem>> -> memref<1x1x128xi32, #tpu.memory_space<vmem>>
      %dma_start3A_163 = tpu.memref_squeeze %dma_start3A_162 : memref<1x1x128xi32, #tpu.memory_space<vmem>> -> memref<128xi32, #tpu.memory_space<vmem>>
      %dma_start3A_164 = arith.constant 0 : i32
      %dma_start3A_165 = arith.constant 0 : i32
      %dma_start3A_166 = tpu.memref_slice %arg10[%dma_start3A_164, %dma_start3A_165] : memref<10112x128xf32, #tpu.memory_space<vmem_shared>> -> memref<10112x128xf32, #tpu.memory_space<vmem_shared>>
      tpu.enqueue_indirect_dma source(%arg9 : memref<128x128xf32, #tpu.memory_space<vmem>>) target(%dma_start3A_166 : memref<10112x128xf32, #tpu.memory_space<vmem_shared>>) offsets(%dma_start3A_163 : memref<128xi32, #tpu.memory_space<vmem>>) semaphore(%arg14 : memref<!tpu.dma_semaphore, #tpu.memory_space<semaphore_mem>>) {add = true}
      %convert_element_type3A_167 = arith.extui %lt3A_112 : i1 to i32
      %cond3A_168 = arith.constant 0 : i32
      %cond3A_169 = arith.cmpi ne, %convert_element_type3A_167, %cond3A_168 : i32
      scf.if %cond3A_169 {
        %mul3A_174 = arith.constant 61 : i32
        %mul3A_175 = arith.muli %add3A, %mul3A_174 : i32
        %add3A_176 = arith.addi %mul3A_175, %while3A_80 : i32
        %add3A_177 = arith.constant 1 : i32
        %add3A_178 = arith.addi %add3A_176, %add3A_177 : i32
        %dma_wait3A_179 = arith.constant 0 : i32
        %dma_wait3A_180 = arith.constant 0 : i32
        %dma_wait3A_181 = tpu.memref_slice %arg6[%select_n3A_109, %dma_wait3A_179, %dma_wait3A_180] : memref<2x2x128xi32, #tpu.memory_space<vmem>> -> memref<1x2x128xi32, #tpu.memory_space<vmem>>
        %dma_wait3A_182 = tpu.memref_squeeze %dma_wait3A_181 : memref<1x2x128xi32, #tpu.memory_space<vmem>> -> memref<2x128xi32, #tpu.memory_space<vmem>>
        %dma_wait3A_183 = arith.constant 0 : i32
        %dma_wait3A_184 = arith.constant 0 : i32
        %dma_wait3A_185 = tpu.memref_slice %arg3[%add3A_178, %dma_wait3A_183, %dma_wait3A_184] : memref<1952x2x128xi32, #tpu.memory_space<hbm>> -> memref<1x2x128xi32, #tpu.memory_space<hbm>>
        %dma_wait3A_186 = tpu.memref_squeeze %dma_wait3A_185 : memref<1x2x128xi32, #tpu.memory_space<hbm>> -> memref<2x128xi32, #tpu.memory_space<hbm>>
        %dma_wait3A_187 = arith.constant 0 : i32
        %dma_wait3A_188 = arith.constant 0 : i32
        %dma_wait3A_189 = tpu.memref_slice %arg6[%select_n3A_109, %dma_wait3A_187, %dma_wait3A_188] : memref<2x2x128xi32, #tpu.memory_space<vmem>> -> memref<1x2x128xi32, #tpu.memory_space<vmem>>
        %dma_wait3A_190 = tpu.memref_squeeze %dma_wait3A_189 : memref<1x2x128xi32, #tpu.memory_space<vmem>> -> memref<2x128xi32, #tpu.memory_space<vmem>>
        %dma_wait3A_191 = arith.constant 0 : i32
        %dma_wait3A_192 = arith.constant 0 : i32
        %dma_wait3A_193 = tpu.memref_slice %arg3[%add3A_178, %dma_wait3A_191, %dma_wait3A_192] : memref<1952x2x128xi32, #tpu.memory_space<hbm>> -> memref<1x2x128xi32, #tpu.memory_space<hbm>>
        %dma_wait3A_194 = tpu.memref_squeeze %dma_wait3A_193 : memref<1x2x128xi32, #tpu.memory_space<hbm>> -> memref<2x128xi32, #tpu.memory_space<hbm>>
        tpu.wait_dma2 semaphore(%arg15 : memref<!tpu.dma_semaphore, #tpu.memory_space<semaphore_mem>>) src(%dma_wait3A_194 : memref<2x128xi32, #tpu.memory_space<hbm>>) dst(%dma_wait3A_190 : memref<2x128xi32, #tpu.memory_space<vmem>>)
        %mul3A_195 = arith.constant 61 : i32
        %mul3A_196 = arith.muli %add3A, %mul3A_195 : i32
        %add3A_197 = arith.addi %mul3A_196, %while3A_80 : i32
        %add3A_198 = arith.constant 1 : i32
        %add3A_199 = arith.addi %add3A_197, %add3A_198 : i32
        %dma_wait3A_200 = arith.constant 0 : i32
        %dma_wait3A_201 = arith.constant 0 : i32
        %dma_wait3A_202 = tpu.memref_slice %arg7[%select_n3A_109, %dma_wait3A_200, %dma_wait3A_201] : memref<2x2x128xi32, #tpu.memory_space<vmem>> -> memref<1x2x128xi32, #tpu.memory_space<vmem>>
        %dma_wait3A_203 = tpu.memref_squeeze %dma_wait3A_202 : memref<1x2x128xi32, #tpu.memory_space<vmem>> -> memref<2x128xi32, #tpu.memory_space<vmem>>
        %dma_wait3A_204 = arith.constant 0 : i32
        %dma_wait3A_205 = arith.constant 0 : i32
        %dma_wait3A_206 = tpu.memref_slice %arg4[%add3A_199, %dma_wait3A_204, %dma_wait3A_205] : memref<1952x2x128xi32, #tpu.memory_space<hbm>> -> memref<1x2x128xi32, #tpu.memory_space<hbm>>
        %dma_wait3A_207 = tpu.memref_squeeze %dma_wait3A_206 : memref<1x2x128xi32, #tpu.memory_space<hbm>> -> memref<2x128xi32, #tpu.memory_space<hbm>>
        %dma_wait3A_208 = arith.constant 0 : i32
        %dma_wait3A_209 = arith.constant 0 : i32
        %dma_wait3A_210 = tpu.memref_slice %arg7[%select_n3A_109, %dma_wait3A_208, %dma_wait3A_209] : memref<2x2x128xi32, #tpu.memory_space<vmem>> -> memref<1x2x128xi32, #tpu.memory_space<vmem>>
        %dma_wait3A_211 = tpu.memref_squeeze %dma_wait3A_210 : memref<1x2x128xi32, #tpu.memory_space<vmem>> -> memref<2x128xi32, #tpu.memory_space<vmem>>
        %dma_wait3A_212 = arith.constant 0 : i32
        %dma_wait3A_213 = arith.constant 0 : i32
        %dma_wait3A_214 = tpu.memref_slice %arg4[%add3A_199, %dma_wait3A_212, %dma_wait3A_213] : memref<1952x2x128xi32, #tpu.memory_space<hbm>> -> memref<1x2x128xi32, #tpu.memory_space<hbm>>
        %dma_wait3A_215 = tpu.memref_squeeze %dma_wait3A_214 : memref<1x2x128xi32, #tpu.memory_space<hbm>> -> memref<2x128xi32, #tpu.memory_space<hbm>>
        tpu.wait_dma2 semaphore(%arg15 : memref<!tpu.dma_semaphore, #tpu.memory_space<semaphore_mem>>) src(%dma_wait3A_215 : memref<2x128xi32, #tpu.memory_space<hbm>>) dst(%dma_wait3A_211 : memref<2x128xi32, #tpu.memory_space<vmem>>)
        %dma_wait3A_216 = arith.constant 0 : i32
        %dma_wait3A_217 = arith.constant 0 : i32
        %dma_wait3A_218 = tpu.memref_slice %arg7[%select_n3A_91, %dma_wait3A_216, %dma_wait3A_217] : memref<2x2x128xi32, #tpu.memory_space<vmem>> -> memref<1x1x128xi32, #tpu.memory_space<vmem>>
        %dma_wait3A_219 = tpu.memref_squeeze %dma_wait3A_218 : memref<1x1x128xi32, #tpu.memory_space<vmem>> -> memref<128xi32, #tpu.memory_space<vmem>>
        %dma_wait3A_220 = arith.constant 0 : i32
        %dma_wait3A_221 = arith.constant 0 : i32
        %dma_wait3A_222 = tpu.memref_slice %arg10[%dma_wait3A_220, %dma_wait3A_221] : memref<10112x128xf32, #tpu.memory_space<vmem_shared>> -> memref<10112x128xf32, #tpu.memory_space<vmem_shared>>
        tpu.wait_indirect_dma semaphore(%arg13 : memref<!tpu.dma_semaphore, #tpu.memory_space<semaphore_mem>>) src(%arg8 : memref<128x128xf32, #tpu.memory_space<vmem>>) dst(%dma_wait3A_222 : memref<10112x128xf32, #tpu.memory_space<vmem_shared>>)
        %dma_start3A_223 = arith.constant 0 : i32
        %dma_start3A_224 = arith.constant 0 : i32
        %dma_start3A_225 = arith.constant 0 : i32
        %dma_start3A_226 = tpu.memref_slice %arg8[%dma_start3A_224, %dma_start3A_225] : memref<128x128xf32, #tpu.memory_space<vmem>> -> memref<64x128xf32, #tpu.memory_space<vmem>>
        %dma_start3A_227 = arith.constant 0 : i32
        %dma_start3A_228 = tpu.memref_slice %arg6[%select_n3A_109, %dma_start3A_223, %dma_start3A_227] : memref<2x2x128xi32, #tpu.memory_space<vmem>> -> memref<1x1x64xi32, #tpu.memory_space<vmem>>
        %dma_start3A_229 = tpu.memref_squeeze %dma_start3A_228 : memref<1x1x64xi32, #tpu.memory_space<vmem>> -> memref<64xi32, #tpu.memory_space<vmem>>
        %dma_start3A_230 = arith.constant 0 : i32
        %dma_start3A_231 = arith.constant 0 : i32
        %dma_start3A_232 = tpu.memref_slice %arg2[%dma_start3A_230, %dma_start3A_231] : memref<20000x128xf32, #tpu.memory_space<hbm>> -> memref<20000x128xf32, #tpu.memory_space<hbm>>
        tpu.enqueue_indirect_dma source(%dma_start3A_232 : memref<20000x128xf32, #tpu.memory_space<hbm>>) target(%dma_start3A_226 : memref<64x128xf32, #tpu.memory_space<vmem>>) offsets(%dma_start3A_229 : memref<64xi32, #tpu.memory_space<vmem>>) semaphore(%arg11 : memref<!tpu.dma_semaphore, #tpu.memory_space<semaphore_mem>>)
        %dma_start3A_233 = arith.constant 0 : i32
        %dma_start3A_234 = arith.constant 64 : i32
        %dma_start3A_235 = arith.constant 0 : i32
        %dma_start3A_236 = tpu.memref_slice %arg8[%dma_start3A_234, %dma_start3A_235] : memref<128x128xf32, #tpu.memory_space<vmem>> -> memref<64x128xf32, #tpu.memory_space<vmem>>
        %dma_start3A_237 = arith.constant 64 : i32
        %dma_start3A_238 = tpu.memref_slice %arg6[%select_n3A_109, %dma_start3A_233, %dma_start3A_237] : memref<2x2x128xi32, #tpu.memory_space<vmem>> -> memref<1x1x64xi32, #tpu.memory_space<vmem>>
        %dma_start3A_239 = tpu.memref_squeeze %dma_start3A_238 : memref<1x1x64xi32, #tpu.memory_space<vmem>> -> memref<64xi32, #tpu.memory_space<vmem>>
        %dma_start3A_240 = arith.constant 0 : i32
        %dma_start3A_241 = arith.constant 0 : i32
        %dma_start3A_242 = tpu.memref_slice %arg2[%dma_start3A_240, %dma_start3A_241] : memref<20000x128xf32, #tpu.memory_space<hbm>> -> memref<20000x128xf32, #tpu.memory_space<hbm>>
        tpu.enqueue_indirect_dma source(%dma_start3A_242 : memref<20000x128xf32, #tpu.memory_space<hbm>>) target(%dma_start3A_236 : memref<64x128xf32, #tpu.memory_space<vmem>>) offsets(%dma_start3A_239 : memref<64xi32, #tpu.memory_space<vmem>>) semaphore(%arg11 : memref<!tpu.dma_semaphore, #tpu.memory_space<semaphore_mem>>)
        %dma_wait3A_243 = arith.constant 1 : i32
        %dma_wait3A_244 = arith.constant 0 : i32
        %dma_wait3A_245 = tpu.memref_slice %arg7[%select_n3A_91, %dma_wait3A_243, %dma_wait3A_244] : memref<2x2x128xi32, #tpu.memory_space<vmem>> -> memref<1x1x128xi32, #tpu.memory_space<vmem>>
        %dma_wait3A_246 = tpu.memref_squeeze %dma_wait3A_245 : memref<1x1x128xi32, #tpu.memory_space<vmem>> -> memref<128xi32, #tpu.memory_space<vmem>>
        %dma_wait3A_247 = arith.constant 0 : i32
        %dma_wait3A_248 = arith.constant 0 : i32
        %dma_wait3A_249 = tpu.memref_slice %arg10[%dma_wait3A_247, %dma_wait3A_248] : memref<10112x128xf32, #tpu.memory_space<vmem_shared>> -> memref<10112x128xf32, #tpu.memory_space<vmem_shared>>
        tpu.wait_indirect_dma semaphore(%arg14 : memref<!tpu.dma_semaphore, #tpu.memory_space<semaphore_mem>>) src(%arg9 : memref<128x128xf32, #tpu.memory_space<vmem>>) dst(%dma_wait3A_249 : memref<10112x128xf32, #tpu.memory_space<vmem_shared>>)
        %dma_start3A_250 = arith.constant 1 : i32
        %dma_start3A_251 = arith.constant 0 : i32
        %dma_start3A_252 = arith.constant 0 : i32
        %dma_start3A_253 = tpu.memref_slice %arg9[%dma_start3A_251, %dma_start3A_252] : memref<128x128xf32, #tpu.memory_space<vmem>> -> memref<64x128xf32, #tpu.memory_space<vmem>>
        %dma_start3A_254 = arith.constant 0 : i32
        %dma_start3A_255 = tpu.memref_slice %arg6[%select_n3A_109, %dma_start3A_250, %dma_start3A_254] : memref<2x2x128xi32, #tpu.memory_space<vmem>> -> memref<1x1x64xi32, #tpu.memory_space<vmem>>
        %dma_start3A_256 = tpu.memref_squeeze %dma_start3A_255 : memref<1x1x64xi32, #tpu.memory_space<vmem>> -> memref<64xi32, #tpu.memory_space<vmem>>
        %dma_start3A_257 = arith.constant 0 : i32
        %dma_start3A_258 = arith.constant 0 : i32
        %dma_start3A_259 = tpu.memref_slice %arg2[%dma_start3A_257, %dma_start3A_258] : memref<20000x128xf32, #tpu.memory_space<hbm>> -> memref<20000x128xf32, #tpu.memory_space<hbm>>
        tpu.enqueue_indirect_dma source(%dma_start3A_259 : memref<20000x128xf32, #tpu.memory_space<hbm>>) target(%dma_start3A_253 : memref<64x128xf32, #tpu.memory_space<vmem>>) offsets(%dma_start3A_256 : memref<64xi32, #tpu.memory_space<vmem>>) semaphore(%arg12 : memref<!tpu.dma_semaphore, #tpu.memory_space<semaphore_mem>>)
        %dma_start3A_260 = arith.constant 1 : i32
        %dma_start3A_261 = arith.constant 64 : i32
        %dma_start3A_262 = arith.constant 0 : i32
        %dma_start3A_263 = tpu.memref_slice %arg9[%dma_start3A_261, %dma_start3A_262] : memref<128x128xf32, #tpu.memory_space<vmem>> -> memref<64x128xf32, #tpu.memory_space<vmem>>
        %dma_start3A_264 = arith.constant 64 : i32
        %dma_start3A_265 = tpu.memref_slice %arg6[%select_n3A_109, %dma_start3A_260, %dma_start3A_264] : memref<2x2x128xi32, #tpu.memory_space<vmem>> -> memref<1x1x64xi32, #tpu.memory_space<vmem>>
        %dma_start3A_266 = tpu.memref_squeeze %dma_start3A_265 : memref<1x1x64xi32, #tpu.memory_space<vmem>> -> memref<64xi32, #tpu.memory_space<vmem>>
        %dma_start3A_267 = arith.constant 0 : i32
        %dma_start3A_268 = arith.constant 0 : i32
        %dma_start3A_269 = tpu.memref_slice %arg2[%dma_start3A_267, %dma_start3A_268] : memref<20000x128xf32, #tpu.memory_space<hbm>> -> memref<20000x128xf32, #tpu.memory_space<hbm>>
        tpu.enqueue_indirect_dma source(%dma_start3A_269 : memref<20000x128xf32, #tpu.memory_space<hbm>>) target(%dma_start3A_263 : memref<64x128xf32, #tpu.memory_space<vmem>>) offsets(%dma_start3A_266 : memref<64xi32, #tpu.memory_space<vmem>>) semaphore(%arg12 : memref<!tpu.dma_semaphore, #tpu.memory_space<semaphore_mem>>)
      } else {
      }
      %not3A = arith.constant true
      %not3A_170 = arith.xori %lt3A_112, %not3A : i1
      %convert_element_type3A_171 = arith.extui %not3A_170 : i1 to i32
      %cond3A_172 = arith.constant 0 : i32
      %cond3A_173 = arith.cmpi ne, %convert_element_type3A_171, %cond3A_172 : i32
      scf.if %cond3A_173 {
        %dma_wait3A_174 = arith.constant 0 : i32
        %dma_wait3A_175 = arith.constant 0 : i32
        %dma_wait3A_176 = tpu.memref_slice %arg7[%select_n3A_91, %dma_wait3A_174, %dma_wait3A_175] : memref<2x2x128xi32, #tpu.memory_space<vmem>> -> memref<1x1x128xi32, #tpu.memory_space<vmem>>
        %dma_wait3A_177 = tpu.memref_squeeze %dma_wait3A_176 : memref<1x1x128xi32, #tpu.memory_space<vmem>> -> memref<128xi32, #tpu.memory_space<vmem>>
        %dma_wait3A_178 = arith.constant 0 : i32
        %dma_wait3A_179 = arith.constant 0 : i32
        %dma_wait3A_180 = tpu.memref_slice %arg10[%dma_wait3A_178, %dma_wait3A_179] : memref<10112x128xf32, #tpu.memory_space<vmem_shared>> -> memref<10112x128xf32, #tpu.memory_space<vmem_shared>>
        tpu.wait_indirect_dma semaphore(%arg13 : memref<!tpu.dma_semaphore, #tpu.memory_space<semaphore_mem>>) src(%arg8 : memref<128x128xf32, #tpu.memory_space<vmem>>) dst(%dma_wait3A_180 : memref<10112x128xf32, #tpu.memory_space<vmem_shared>>)
        %dma_wait3A_181 = arith.constant 1 : i32
        %dma_wait3A_182 = arith.constant 0 : i32
        %dma_wait3A_183 = tpu.memref_slice %arg7[%select_n3A_91, %dma_wait3A_181, %dma_wait3A_182] : memref<2x2x128xi32, #tpu.memory_space<vmem>> -> memref<1x1x128xi32, #tpu.memory_space<vmem>>
        %dma_wait3A_184 = tpu.memref_squeeze %dma_wait3A_183 : memref<1x1x128xi32, #tpu.memory_space<vmem>> -> memref<128xi32, #tpu.memory_space<vmem>>
        %dma_wait3A_185 = arith.constant 0 : i32
        %dma_wait3A_186 = arith.constant 0 : i32
        %dma_wait3A_187 = tpu.memref_slice %arg10[%dma_wait3A_185, %dma_wait3A_186] : memref<10112x128xf32, #tpu.memory_space<vmem_shared>> -> memref<10112x128xf32, #tpu.memory_space<vmem_shared>>
        tpu.wait_indirect_dma semaphore(%arg14 : memref<!tpu.dma_semaphore, #tpu.memory_space<semaphore_mem>>) src(%arg9 : memref<128x128xf32, #tpu.memory_space<vmem>>) dst(%dma_wait3A_187 : memref<10112x128xf32, #tpu.memory_space<vmem_shared>>)
      } else {
      }
    }
    %barrier3A_79 = arith.constant 0 : index
    tpu.barrier barrier_id(%barrier3A_79)
    "tpu.region"() ({
      %run_scoped3A_80 = tpu.sem_alloc : memref<!tpu.dma_semaphore, #tpu.memory_space<semaphore_mem>>
      %dma_start3A_81 = arith.constant 0 : i32
      %dma_start3A_82 = tpu.memref_slice %arg5[%arg0, %multiple_of3A, %dma_start3A_81] : memref<2x10112x128xf32, #tpu.memory_space<hbm>> -> memref<1x632x128xf32, #tpu.memory_space<hbm>>
      %dma_start3A_83 = tpu.memref_squeeze %dma_start3A_82 : memref<1x632x128xf32, #tpu.memory_space<hbm>> -> memref<632x128xf32, #tpu.memory_space<hbm>>
      %dma_start3A_84 = arith.constant 0 : i32
      %dma_start3A_85 = tpu.memref_slice %arg10[%multiple_of3A, %dma_start3A_84] : memref<10112x128xf32, #tpu.memory_space<vmem_shared>> -> memref<632x128xf32, #tpu.memory_space<vmem_shared>>
      tpu.enqueue_dma source(%dma_start3A_85 : memref<632x128xf32, #tpu.memory_space<vmem_shared>>) target(%dma_start3A_83 : memref<632x128xf32, #tpu.memory_space<hbm>>) target_semaphore(%run_scoped3A_80 : memref<!tpu.dma_semaphore, #tpu.memory_space<semaphore_mem>>)
      %dma_wait3A = arith.constant 0 : i32
      %dma_wait3A_86 = tpu.memref_slice %arg5[%arg0, %multiple_of3A, %dma_wait3A] : memref<2x10112x128xf32, #tpu.memory_space<hbm>> -> memref<1x632x128xf32, #tpu.memory_space<hbm>>
      %dma_wait3A_87 = tpu.memref_squeeze %dma_wait3A_86 : memref<1x632x128xf32, #tpu.memory_space<hbm>> -> memref<632x128xf32, #tpu.memory_space<hbm>>
      %dma_wait3A_88 = arith.constant 0 : i32
      %dma_wait3A_89 = tpu.memref_slice %arg10[%multiple_of3A, %dma_wait3A_88] : memref<10112x128xf32, #tpu.memory_space<vmem_shared>> -> memref<632x128xf32, #tpu.memory_space<vmem_shared>>
      tpu.wait_dma2 semaphore(%run_scoped3A_80 : memref<!tpu.dma_semaphore, #tpu.memory_space<semaphore_mem>>) src(%dma_wait3A_89 : memref<632x128xf32, #tpu.memory_space<vmem_shared>>) dst(%dma_wait3A_87 : memref<632x128xf32, #tpu.memory_space<hbm>>)
      tpu.yield
    }) : () -> ()
    return
  }
}

module attributes {stable_mosaic.version = 14 : i64} {
  func.func @_tc_body(%arg0: i32, %arg1: memref<1xf32, #tpu.memory_space<smem>>, %arg2: memref<2x512x128xf32, #tpu.memory_space<vmem>>, %arg3: memref<2x512xf32, #tpu.memory_space<vmem>>, %arg4: memref<512x128xf32, #tpu.memory_space<vmem>>, %arg5: memref<128x256xf32, #tpu.memory_space<vmem>>, %arg6: memref<1x256xf32, #tpu.memory_space<vmem>>, %arg7: memref<256x128xf32, #tpu.memory_space<vmem>>, %arg8: memref<1x128xf32, #tpu.memory_space<vmem>>, %arg9: memref<512x128xf32, #tpu.memory_space<vmem>>) attributes {dimension_semantics = [#tpu.dimension_semantics<arbitrary>], iteration_bounds = array<i64: 20>, scalar_prefetch = 0 : i64, scratch_operands = 0 : i64, tpu.core_type = #tpu.core_type<tc>, window_params = [{transform_indices = @transform_0, window_bounds = array<i64: 1>}, {transform_indices = @transform_1, window_bounds = array<i64: 2, 512, 128>}, {transform_indices = @transform_2, window_bounds = array<i64: 2, 512>}, {transform_indices = @transform_3, window_bounds = array<i64: 512, 128>}, {pipeline_mode = #tpu.pipeline_mode<synchronous>, transform_indices = @transform_4, window_bounds = array<i64: 128, 256>}, {pipeline_mode = #tpu.pipeline_mode<synchronous>, transform_indices = @transform_5, window_bounds = array<i64: 1, 256>}, {pipeline_mode = #tpu.pipeline_mode<synchronous>, transform_indices = @transform_6, window_bounds = array<i64: 256, 128>}, {pipeline_mode = #tpu.pipeline_mode<synchronous>, transform_indices = @transform_7, window_bounds = array<i64: 1, 128>}, {transform_indices = @transform_8, window_bounds = array<i64: 512, 128>}]} {
    %get3A = arith.constant 0 : index
    %get3A_0 = arith.constant 0 : index
    %get3A_1 = arith.constant 0 : index
    %get3A_2 = vector.load %arg2[%get3A, %get3A_0, %get3A_1] : memref<2x512x128xf32, #tpu.memory_space<vmem>>, vector<1x512x128xf32>
    %get3A_3 = vector.shape_cast %get3A_2 : vector<1x512x128xf32> to vector<512x128xf32>
    %get3A_4 = arith.constant 1 : index
    %get3A_5 = arith.constant 0 : index
    %get3A_6 = arith.constant 0 : index
    %get3A_7 = vector.load %arg2[%get3A_4, %get3A_5, %get3A_6] : memref<2x512x128xf32, #tpu.memory_space<vmem>>, vector<1x512x128xf32>
    %get3A_8 = vector.shape_cast %get3A_7 : vector<1x512x128xf32> to vector<512x128xf32>
    %add3A = arith.addf %get3A_3, %get3A_8 : vector<512x128xf32>
    %get3A_9 = arith.constant 0 : index
    %get3A_10 = arith.constant 0 : index
    %get3A_11 = vector.load %arg3[%get3A_9, %get3A_10] : memref<2x512xf32, #tpu.memory_space<vmem>>, vector<1x512xf32>
    %get3A_12 = vector.shape_cast %get3A_11 : vector<1x512xf32> to vector<512xf32>
    %get3A_13 = arith.constant 1 : index
    %get3A_14 = arith.constant 0 : index
    %get3A_15 = vector.load %arg3[%get3A_13, %get3A_14] : memref<2x512xf32, #tpu.memory_space<vmem>>, vector<1x512xf32>
    %get3A_16 = vector.shape_cast %get3A_15 : vector<1x512xf32> to vector<512xf32>
    %add3A_17 = arith.addf %get3A_12, %get3A_16 : vector<512xf32>
    %broadcast_in_dim3A = vector.shape_cast %add3A_17 : vector<512xf32> to vector<512x1xf32>
    %max3A = arith.constant 1.000000e+00 : f32
    %max3A_18 = vector.broadcast %max3A : f32 to vector<512x1xf32>
    %max3A_19 = arith.maximumf %broadcast_in_dim3A, %max3A_18 : vector<512x1xf32>
    %div3A = vector.broadcast %max3A_19 : vector<512x1xf32> to vector<512x128xf32>
    %div3A_20 = arith.divf %add3A, %div3A : vector<512x128xf32>
    %get3A_21 = arith.constant 0 : index
    %get3A_22 = memref.load %arg1[%get3A_21] : memref<1xf32, #tpu.memory_space<smem>>
    %add3A_23 = arith.constant 1.000000e+00 : f32
    %add3A_24 = arith.addf %add3A_23, %get3A_22 : f32
    %get3A_25 = arith.constant 0 : index
    %get3A_26 = arith.constant 0 : index
    %get3A_27 = vector.load %arg4[%get3A_25, %get3A_26] : memref<512x128xf32, #tpu.memory_space<vmem>>, vector<512x128xf32>
    %mul3A = vector.broadcast %add3A_24 : f32 to vector<512x128xf32>
    %mul3A_28 = arith.mulf %mul3A, %get3A_27 : vector<512x128xf32>
    %add3A_29 = arith.addf %mul3A_28, %div3A_20 : vector<512x128xf32>
    %get3A_30 = arith.constant 0 : index
    %get3A_31 = arith.constant 0 : index
    %get3A_32 = vector.load %arg5[%get3A_30, %get3A_31] : memref<128x256xf32, #tpu.memory_space<vmem>>, vector<128x256xf32>
    %dot_general3A = arith.constant dense<0.000000e+00> : vector<512x256xf32>
    %dot_general3A_33 = tpu.matmul %add3A_29, %get3A_32, %dot_general3A {dimension_numbers = #tpu.dot_dimension_numbers<[1], [0], [0], [1], [0, 0, 1, 1], [], []>, transpose_lhs_hint = false} : vector<512x128xf32>, vector<128x256xf32>, vector<512x256xf32> -> vector<512x256xf32>
    %get3A_34 = arith.constant 0 : index
    %get3A_35 = arith.constant 0 : index
    %get3A_36 = vector.load %arg6[%get3A_34, %get3A_35] : memref<1x256xf32, #tpu.memory_space<vmem>>, vector<1x256xf32>
    %add3A_37 = vector.broadcast %get3A_36 : vector<1x256xf32> to vector<512x256xf32>
    %add3A_38 = arith.addf %dot_general3A_33, %add3A_37 : vector<512x256xf32>
    %max3A_39 = arith.constant 0.000000e+00 : f32
    %max3A_40 = vector.broadcast %max3A_39 : f32 to vector<512x256xf32>
    %max3A_41 = arith.maximumf %add3A_38, %max3A_40 : vector<512x256xf32>
    %get3A_42 = arith.constant 0 : index
    %get3A_43 = arith.constant 0 : index
    %get3A_44 = vector.load %arg7[%get3A_42, %get3A_43] : memref<256x128xf32, #tpu.memory_space<vmem>>, vector<256x128xf32>
    %dot_general3A_45 = arith.constant dense<0.000000e+00> : vector<512x128xf32>
    %dot_general3A_46 = tpu.matmul %max3A_41, %get3A_44, %dot_general3A_45 {dimension_numbers = #tpu.dot_dimension_numbers<[1], [0], [0], [1], [0, 0, 1, 1], [], []>, transpose_lhs_hint = false} : vector<512x256xf32>, vector<256x128xf32>, vector<512x128xf32> -> vector<512x128xf32>
    %get3A_47 = arith.constant 0 : index
    %get3A_48 = arith.constant 0 : index
    %get3A_49 = vector.load %arg8[%get3A_47, %get3A_48] : memref<1x128xf32, #tpu.memory_space<vmem>>, vector<1x128xf32>
    %add3A_50 = vector.broadcast %get3A_49 : vector<1x128xf32> to vector<512x128xf32>
    %add3A_51 = arith.addf %dot_general3A_46, %add3A_50 : vector<512x128xf32>
    %max3A_52 = arith.constant 0.000000e+00 : f32
    %max3A_53 = vector.broadcast %max3A_52 : f32 to vector<512x128xf32>
    %max3A_54 = arith.maximumf %add3A_51, %max3A_53 : vector<512x128xf32>
    %swap3A = arith.constant 0 : index
    %swap3A_55 = arith.constant 0 : index
    %swap3A_56 = vector.load %arg9[%swap3A, %swap3A_55] : memref<512x128xf32, #tpu.memory_space<vmem>>, vector<512x128xf32>
    tpu.vector_store %arg9[%swap3A, %swap3A_55], %max3A_54 {strides = array<i32>} : memref<512x128xf32, #tpu.memory_space<vmem>>, vector<512x128xf32>,
    return
  }
  func.func @transform_0(%arg0: i32) -> i32 {
    %c0_i32 = arith.constant 0 : i32
    %c0_i32_0 = arith.constant 0 : i32
    return %c0_i32 : i32
  }
  func.func @transform_1(%arg0: i32) -> (i32, i32, i32) {
    %c0_i32 = arith.constant 0 : i32
    %c0_i32_0 = arith.constant 0 : i32
    %c0_i32_1 = arith.constant 0 : i32
    return %c0_i32, %arg0, %c0_i32_0 : i32, i32, i32
  }
  func.func @transform_2(%arg0: i32) -> (i32, i32) {
    %c0_i32 = arith.constant 0 : i32
    %c0_i32_0 = arith.constant 0 : i32
    return %c0_i32, %arg0 : i32, i32
  }
  func.func @transform_3(%arg0: i32) -> (i32, i32) {
    %c0_i32 = arith.constant 0 : i32
    %c0_i32_0 = arith.constant 0 : i32
    return %arg0, %c0_i32 : i32, i32
  }
  func.func @transform_4(%arg0: i32) -> (i32, i32) {
    %c0_i32 = arith.constant 0 : i32
    %c0_i32_0 = arith.constant 0 : i32
    %c0_i32_1 = arith.constant 0 : i32
    return %c0_i32, %c0_i32_0 : i32, i32
  }
  func.func @transform_5(%arg0: i32) -> (i32, i32) {
    %c0_i32 = arith.constant 0 : i32
    %c0_i32_0 = arith.constant 0 : i32
    %c0_i32_1 = arith.constant 0 : i32
    return %c0_i32, %c0_i32_0 : i32, i32
  }
  func.func @transform_6(%arg0: i32) -> (i32, i32) {
    %c0_i32 = arith.constant 0 : i32
    %c0_i32_0 = arith.constant 0 : i32
    %c0_i32_1 = arith.constant 0 : i32
    return %c0_i32, %c0_i32_0 : i32, i32
  }
  func.func @transform_7(%arg0: i32) -> (i32, i32) {
    %c0_i32 = arith.constant 0 : i32
    %c0_i32_0 = arith.constant 0 : i32
    %c0_i32_1 = arith.constant 0 : i32
    return %c0_i32, %c0_i32_0 : i32, i32
  }
  func.func @transform_8(%arg0: i32) -> (i32, i32) {
    %c0_i32 = arith.constant 0 : i32
    %c0_i32_0 = arith.constant 0 : i32
    return %arg0, %c0_i32 : i32, i32
  }
}

</mosaic_0001>

<sc_bundles>
// kernel: kernel.5.cloned.1.call-start
scs
__scs_entry_jumppad:
0x0: {  	(pc) =	sbr.rel $0x88, $3  }
0x1: {  	(tag) =	ssettag $0x0;
	lr =	simm.s32 $0x1  }
0x2: {  	[smem:$0x3F9A] =	sst lr;
	_ =	strace $0xD0000000  }
0x3: {  	_ = 	snop  }
0x4: {  	_ = 	snop  }
0x5: {  	_ = 	snop  }
0x6: {  	_ = 	snop  }
0x7: {  	_ = 	snop  }
__scs_overlays_trampoline_lowered:
0x8: {  	[smem:$0x3FA9] =	sst s0  }
0x9: {  	[smem:$0x3FAA] =	sst s1  }
0xa: {  	[smem:$0x3FAB] =	sst s2  }
0xb: {  	[smem:$0x3FAC] =	sst s3  }
0xc: {  	[smem:$0x3FAD] =	sst s4  }
0xd: {  	[smem:$0x3FAE] =	sst s5  }
0xe: {  	[smem:$0x3FAF] =	sst s6  }
0xf: {  	[smem:$0x3FB0] =	sst s7  }
0x10: {  	[smem:$0x3FB1] =	sst s8  }
0x11: {  	[smem:$0x3FB2] =	sst s9;
	s0 =	simm.s32 @!p0 $0x0  }
0x12: {  	s1 =	sld [smem:$0x3F98];
	s0 =	simm.s32 @p0 $0x1  }
0x13: {  	[smem:$0x3FB3] =	sst s0;
	s0 =	simm.s32 @!p1 $0x0  }
0x14: {  	s2 =	sld [smem:$0x3F97];
	s0 =	simm.s32 @p1 $0x1  }
0x15: {  	[smem:$0x3FB4] =	sst s0;
	s0 =	simm.s32 @!p2 $0x0  }
0x16: {  	s3 =	sld [smem:$0x3FDB];
	s0 =	simm.s32 @p2 $0x1  }
0x17: {  	s4 =	simm.s32 $0x1BF5;
	[smem:$0x3FB6] =	sst s0  }
0x18: {  	s0 =	sld [smem:$0x3F99];
	_ =	swait.ge [sflag:s4], $0x0  }
0x19: {  	s7 =	sld [smem:$0x3F9A]  }
0x1a: {  	s8 =	sadd.s32 $0xFFFFE003, lr  }
0x1b: {  	s9 =	sadd.s32 $0xFFFFFEF7, lr;
	s5 =	simm.s32 $0xFFFFFFFF;
	p2 =	slt.u32 s8, $0xFFFFF086  }
0x1c: {  	p1 =	slt.u32 s9, $0xF7A;
	s5 =	simm.s32 @!p2 $0x0  }
0x1d: {  	s5 =	simm.s32 @p1 $0x1;
	p0 =	seq.s32 s7, s2  }
0x1e: {  	s7 =	smul.u32 @!p0 $0xF7A, s2;
	p2 =	seq.s32 @!p0 s5, $0x0  }
0x1f: {  	s9 =	smul.u32 $0xF7A, s1;
	s8 =	simm.s32 @!p0 $0x1BF5;
	p2 =	por !p2, p0  }
0x20: {  	[sflag:s8] =	ssyncset.s32 @!p0 $0xFFFFF086;
	s6 =	sadd.s32 @!p0 s3, s7;
	s7 =	simm.s32 @!p0 $0x108  }
0x21: {  	s3 =	sadd.s32 s3, s9;
	s6 =	sadd.s32 @!p0 $0x88, s6;
	s7 =	simm.s32 @p2 $0x1082  }
0x22: {  	[simem:s7], [sflag:s8] =	dma.local @!p0 [hbm:s6], $0xF7A  }
0x23: {  	s9 =	sor.u32 $0xD0000000, s2;
	s6 =	simm.s32 $0x108;
	_ =	swait.ge @!p0 [sflag:s8], $0x0  }
0x24: {  	s3 =	sadd.s32 $0x88, s3;
	s6 =	simm.s32 @!p1 $0x1082;
	[sflag:s4] =	ssyncset.s32 $0xFFFFF086  }
0x25: {  	[simem:s6], [sflag:s4] =	dma.local [hbm:s3], $0xF7A  }
0x26: {  	[smem:$0x3F9A] =	sst s1;
	(tag) =	ssettag s2;
	_ =	strace s9  }
0x27: {  	s1 =	sld [smem:$0x3FAA]  }
0x28: {  	s2 =	sld [smem:$0x3FAB]  }
0x29: {  	s4 =	sld [smem:$0x3FAD]  }
0x2a: {  	p0 =	seq.s32 s5, $0x0;
	s5 =	sld [smem:$0x3FAE]  }
0x2b: {  	s6 =	sld [smem:$0x3FAF]  }
0x2c: {  	s7 =	sld [smem:$0x3FB0]  }
0x2d: {  	s3 =	simm.s32 $0x108;
	s8 =	sld [smem:$0x3FB1]  }
0x2e: {  	s3 =	simm.s32 @!p0 $0x1082;
	s9 =	sld [smem:$0x3FB2]  }
0x2f: {  	lr =	sadd.s32 s0, s3;
	s0 =	sld [smem:$0x3FA9]  }
0x30: {  	s3 =	sld [smem:$0x3FAC]  }
0x31: {  	[smem:$0x3FB5] =	sst s10  }
0x32: {  	s10 =	sld [smem:$0x3FB3];
	_ =	sdelay $0x3  }
0x33: {  	p0 =	seq.s32 s10, $0x1;
	s10 =	sld [smem:$0x3FB5];
	_ =	sdelay $0x3  }
0x34: {  	[smem:$0x3FB5] =	sst s10  }
0x35: {  	s10 =	sld [smem:$0x3FB4];
	_ =	sdelay $0x3  }
0x36: {  	p1 =	seq.s32 s10, $0x1;
	s10 =	sld [smem:$0x3FB5];
	_ =	sdelay $0x3  }
0x37: {  	[smem:$0x3FB5] =	sst s10  }
0x38: {  	s10 =	sld [smem:$0x3FB6]  }
0x39: {  	_ = 	snop;
	(pc) =	sbr.ind lr, $3  }
0x3a: {  	_ = 	snop  }
0x3b: {  	_ = 	snop  }
0x3c: {  	p2 =	seq.s32 s10, $0x1;
	s10 =	sld [smem:$0x3FB5]  }
0x3d: {  	_ =	shalt  }
0x3e: {  	_ =	shalt  }
0x3f: {  	_ =	shalt  }
0x40: {  	_ =	shalt  }
0x41: {  	_ =	shalt  }
0x42: {  	_ =	shalt  }
0x43: {  	_ =	shalt  }
0x44: {  	_ =	shalt  }
0x45: {  	_ =	shalt  }
0x46: {  	_ =	shalt  }
0x47: {  	_ =	shalt  }
0x48: {  	_ =	shalt  }
0x49: {  	_ =	shalt  }
0x4a: {  	_ =	shalt  }
0x4b: {  	_ =	shalt  }
0x4c: {  	_ =	shalt  }
0x4d: {  	_ =	shalt  }
0x4e: {  	_ =	shalt  }
0x4f: {  	_ =	shalt  }
0x50: {  	_ =	shalt  }
0x51: {  	_ =	shalt  }
0x52: {  	_ =	shalt  }
0x53: {  	_ =	shalt  }
0x54: {  	_ =	shalt  }
0x55: {  	_ =	shalt  }
0x56: {  	_ =	shalt  }
0x57: {  	_ =	shalt  }
0x58: {  	_ =	shalt  }
0x59: {  	_ =	shalt  }
0x5a: {  	_ =	shalt  }
0x5b: {  	_ =	shalt  }
0x5c: {  	_ =	shalt  }
0x5d: {  	_ =	shalt  }
0x5e: {  	_ =	shalt  }
0x5f: {  	_ =	shalt  }
0x60: {  	_ =	shalt  }
0x61: {  	_ =	shalt  }
0x62: {  	_ =	shalt  }
0x63: {  	_ =	shalt  }
0x64: {  	_ =	shalt  }
0x65: {  	_ =	shalt  }
0x66: {  	_ =	shalt  }
0x67: {  	_ =	shalt  }
0x68: {  	_ =	shalt  }
0x69: {  	_ =	shalt  }
0x6a: {  	_ =	shalt  }
0x6b: {  	_ =	shalt  }
0x6c: {  	_ =	shalt  }
0x6d: {  	_ =	shalt  }
0x6e: {  	_ =	shalt  }
0x6f: {  	_ =	shalt  }
0x70: {  	_ =	shalt  }
0x71: {  	_ =	shalt  }
0x72: {  	_ =	shalt  }
0x73: {  	_ =	shalt  }
0x74: {  	_ =	shalt  }
0x75: {  	_ =	shalt  }
0x76: {  	_ =	shalt  }
0x77: {  	_ =	shalt  }
0x78: {  	_ =	shalt  }
0x79: {  	_ =	shalt  }
0x7a: {  	_ =	shalt  }
0x7b: {  	_ =	shalt  }
0x7c: {  	_ =	shalt  }
0x7d: {  	_ =	shalt  }
0x7e: {  	_ =	shalt  }
0x7f: {  	_ =	shalt  }
0x80: {  	_ =	shalt  }
0x81: {  	_ =	shalt  }
0x82: {  	_ =	shalt  }
0x83: {  	_ =	shalt  }
0x84: {  	_ =	shalt  }
0x85: {  	_ =	shalt  }
0x86: {  	_ =	shalt  }
0x87: {  	_ =	shalt  }
.Lfunc_end0:
.L_simem_size_0:
called_computation_lowered:
.L_overlay_start_0:
0x88: {  	s2 =	sld [smem:$0x3FD9]  }
0x89: {  	s3 =	sld [smem:$0x3FFE];
	_ =	sdelay $0x1  }
0x8a: {  	s1 =	srdreg.scid  }
0x8b: {  	s0 =	sand.u32 $0x1, s1  }
0x8c: {  	s17 =	sshll.u32 s0, $0xA;
	s2 =	sadd.s32 s3, s2  }
0x8d: {  	s2 =	sadd.s32 s2, s17  }
0x8e: {  	[smem:$0x3FC1] =	sst s2  }
0x8f: {  	_ = 	snop  }
0x90: {  	s18 =	sld [smem:$0x3FD0];
	(tm) =	ssettm $0x1  }
0x91: {  	s19 =	sld [smem:$0x3FFB];
	_ =	sdelay $0x3  }
0x92: {  	_ =	strace s19  }
0x93: {  	s2 =	sld [smem:$0x3FFC];
	_ =	sdelay $0x3  }
0x94: {  	_ =	strace s2  }
0x95: {  	s2 =	sld [smem:$0x3FFD];
	_ =	sdelay $0x3  }
0x96: {  	_ =	strace s2  }
0x97: {  	_ =	strace $0x8FFFFFFF  }
0x98: {  	s20 =	sld [smem:$0x3FDB];
	_ =	sdelay $0x1  }
0x99: {  	s4 =	simm.s32 $_scs_section_size  }
0x9a: {  	s5 =	simm.s32 $_size__tile_overlayer_lowered;
	s6 =	simm.s32 $_tile_overlayer_lowered  }
0x9b: {  	s7 =	simm.s32 $0x1BFF;
	s21 =	sshll.u32 s6, $0x1;
	s4 =	sadd.s32 s4, s20  }
0x9c: {  	s22 =	simm.s32 $0x0;
	s5 =	sshll.u32 s5, $0x1;
	s6 =	sadd.s32 s21, s4  }
0x9d: {  	[timem:s22], [sflag:s7] =	dma.local [hbm:s6], s5  }
0x9e: {  	_ =	swait.ge [sflag:s7], s5  }
0x9f: {  	s5 =	ssub.s32 $0x0, s5;
	[sflag:s7] =	ssyncset.done $0x0  }
0xa0: {  	[sflag:s7] =	ssyncadd.s32 s5;
	_ =	sdelay $0x1  }
0xa1: {  	s23 =	simm.s32 $0x1B8B  }
0xa2: {  	_ =	swait.ge [sflag:s23], $0x1  }
0xa3: {  	[sflag:s23] =	ssyncset.done $0x0  }
0xa4: {  	[sflag:s23] =	ssyncadd.s32 $0xFFFFFFFF  }
0xa5: {  	s5 =	sld [smem:$0x0]  }
0xa6: {  	s6 =	sand.u32 $0xFFFFFFFE, s1  }
0xa7: {  	p0 =	sne.s32 s1, s6  }
0xa8: {  	s6 =	sshll.u32 @p0 s6, $0xE  }
0xa9: {  	s6 =	sadd.s32 @p0 $0x11B8D, s6;
	s7 =	sshll.u32 @p0 s5, $0x11  }
0xaa: {  	s6 =	sor.u32 @p0 s7, s6  }
0xab: {  	[sflag:s6] =	ssyncadd.remote.s32 @p0 $0x1;
	_ =	sdelay $0x1  }
0xac: {  	s6 =	simm.s32 @p0 $0x1B8D  }
0xad: {  	_ =	swait.eq @p0 [sflag:s6], $0x1  }
0xae: {  	[sflag:s6] =	ssyncadd.s32 @p0 $0xFFFFFFFF  }
0xaf: {  	s7 =	sshll.u32 @!p0 s1, $0xE  }
0xb0: {  	s7 =	sor.u32 @!p0 $0x4000, s7;
	s6 =	simm.s32 @!p0 $0x1B8D  }
0xb1: {  	s5 =	sshll.u32 @!p0 s5, $0x11;
	s7 =	sadd.s32 @!p0 $0x11B8D, s7;
	_ =	swait.eq @!p0 [sflag:s6], $0x1  }
0xb2: {  	s5 =	sor.u32 @!p0 s5, s7;
	[sflag:s6] =	ssyncadd.s32 @!p0 $0xFFFFFFFF  }
0xb3: {  	s25 =	simm.s32 $0x1B8E;
	s24 =	sld [smem:$0x3FFE];
	[sflag:s5] =	ssyncadd.remote.s32 @!p0 $0x1  }
0xb4: {  	s26 =	simm.s32 $execute0_lowered;
	[smem:$0x3FD2] =	sst s25  }
0xb5: {  	s6 =	sshll.u32 s26, $0x1;
	_ =	strace $0x80000049;
	[dreg:$0x1] =	wrdreg $0xFFFFFFFF  }
0xb6: {  	s28 =	simm.s32 $_size_execute0_lowered;
	s4 =	sadd.s32 s4, s6;
	[dreg:$0x0] =	wrdreg $0x0  }
0xb7: {  	s6 =	sshll.u32 s28, $0x1;
	[dreg:$0x2] =	wrdreg s4  }
0xb8: {  	[dreg:$0x3] =	wrdreg s6  }
0xb9: {  	[dreg:$0x4] =	wrdreg $0xC0  }
0xba: {  	_ =	task [dreg:s22], $0x5FFFF  }
0xbb: {  	[dreg:$0x1] =	wrdreg $0xFFFFFFFF  }
0xbc: {  	[dreg:$0x0] =	wrdreg $0x60  }
0xbd: {  	[dreg:$0x2] =	wrdreg s24  }
0xbe: {  	[dreg:$0x3] =	wrdreg s18  }
0xbf: {  	[dreg:$0x4] =	wrdreg $0x84000  }
0xc0: {  	[dreg:$0x5] =	wrdreg $0x9  }
0xc1: {  	_ =	task.clear_ibuf [dreg:s22], $0x6FFFF;
	_ =	strace $0x90000049  }
0xc2: {  	s29 =	simm.s32 $0x9;
	_ =	strace $0x8000004B  }
0xc3: {  	_ =	swait.ge [sflag:s29], $0x1  }
0xc4: {  	[sflag:s29] =	ssyncadd.s32 $0xFFFFFFFF  }
0xc5: {  	_ =	strace $0x9000004B  }
0xc6: {  	_ =	sfence  }
0xc7: {  	s30 =	sld [smem:$0x0];
	_ =	sdelay $0x2  }
0xc8: {  	s31 =	sshll.u32 s1, $0xD;
	s1 =	sshrl.u32 s1, $0x2  }
0xc9: {  	s4 =	sand.u32 $0x4000, s31;
	s1 =	sadd.s32 s1, s30  }
0xca: {  	s0 =	sor.u32 s4, s0;
	s1 =	sshll.u32 s1, $0x11  }
0xcb: {  	s0 =	sor.u32 s1, s0  }
0xcc: {  	s0 =	sadd.s32 $0x8F2B, s0  }
0xcd: {  	[sflag:s0] =	ssyncadd.remote.s32 $0x1  }
0xce: {  	_ =	sfence.sel $0xFFFF  }
0xcf: {  	[dreg:$0x0] =	wrdreg $0xFFFFFFFF;
	(pc) =	sbr.abs _section_cstart, $3  }
0xd0: {  	[dreg:$0x1] =	wrdreg $0xFFFFFFFF  }
0xd1: {  	_ =	task.clear_ibuf [dreg:s22], $0x2FFFF;
	_ =	strace $0x9FFFFFFF  }
0xd2: {  	(tm) =	ssettm $0x7FFFFFFF  }
0xd3: {  	_ =	shalt  }
tec
execute0_lowered:
.L_overlay_start_1:
0x0: {  	(tag) =	ssettag $0x1  }
0x1: {  	s0 =	rddreg [dreg:$0x0]  }
0x2: {  	s2 =	rddreg [dreg:$0x1];
	s1 =	srdreg.scid  }
0x3: {  	s3 =	rddreg [dreg:$0x2];
	s11 =	stileid.u32;
	s4 =	simm.s32 $0x0  }
0x4: {  	s16 =	simm.s32 $0x1100;
	s17 =	simm.s32 $0x6;
	s19 =	simm.s32 $0x40  }
0x5: {  	s20 =	simm.s32 $0x2400;
	s21 =	simm.s32 $0x80;
	s22 =	simm.s32 $0x4400  }
0x6: {  	s28 =	simm.s32 $0x5;
	s29 =	simm.s32 $0x3;
	s6 =	smul.u32 $0x13C00, s11  }
0x7: {  	s30 =	simm.s32 $0x4;
	s31 =	simm.s32 $0x0;
	s10 =	smul.u32 $0x4F000, s11  }
0x8: {  	s1 =	sand.u32 $0x1, s1;
	[smem:$0x7FF] =	sst s4;
	s14 =	smul.u32 $0x3D00, s11  }
0x9: {  	s5 =	smul.u32 $0x13C000, s1;
	_ =	strace $0x8000004A;
	s8 =	ssub.s32 $0x2, s1  }
0xa: {  	s9 =	sshll.u32 s1, $0x4;
	p0 =	seq.s32 s1, $0x0;
	s1 =	smul.u32 $0x3D000, s1  }
0xb: {  	s23 =	sshrl.u32 s8, $0x1;
	s9 =	sor.u32 s11, s9;
	s24 =	sshrl.u32 s10, $0x2  }
0xc: {  	s16 =	simm.s32 @!p0 $0x3C00;
	s7 =	sadd.s32 s6, s5;
	s5 =	sadd.s32 $0x1A800, s0  }
0xd: {  	s6 =	sadd.s32 $0xB400, s0;
	s15 =	ssub.s32 s8, s23;
	s13 =	smul.u32 $0x7A0, s9  }
0xe: {  	s1 =	sadd.s32 s14, s1;
	[dreg:$0x4] =	wrdreg s16;
	s16 =	simm.s32 $0x400  }
0xf: {  	s7 =	sshrl.u32 s7, $0x3;
	s1 =	sadd.s32 $0x100, s1;
	s15 =	smax.u32 s15, $0x1  }
0x10: {  	s0 =	sadd.s32 s7, s0;
	s7 =	sadd.s32 s24, s3;
	s12 =	sadd.s32 s2, s13  }
0x11: {  	s13 =	sadd.s32 s6, s13;
	[dreg:$0x5] =	wrdreg s1;
	s24 =	simm.s32 $0x6400  }
0x12: {  	s25 =	sadd.s32 $0x4000, s7;
	s26 =	sadd.s32 $0x8000, s7;
	s10 =	sadd.s32 $0xC000, s7  }
0x13: {  	s11 =	sadd.s32 $0x10000, s7;
	s14 =	sadd.s32 $0x68A00, s0;
	[dreg:$0x6] =	wrdreg s25  }
0x14: {  	v0 =	vimm.f32 $0.0e+00;
	[dreg:$0x7] =	wrdreg s26;
	s25 =	simm.s32 $0x1;
	s26 =	simm.s32 $0x2  }
.LBB2_1:
0x15: {  	s0 =	sand.u32 $0xFE00, s4  }
0x16: {  	s1 =	sand.u32 $0x70, s4;
	s18 =	sshrl.u32 s0, $0x2  }
0x17: {  	s0 =	simm.s32 $0x40;
	s18 =	sor.u32 s1, s18;
	s1 =	simm.s32 $0x0  }
.LBB2_2:
0x18: {  	p0 =	sne.s32 s0, $0xFFC0  }
0x19: {  	[tilespmem:s18+$0x400] =	vst v0;
	s1 =	sadd.s32 $0x10, s1;
	s18 =	smov.u32 s0;
	s0 =	sadd.s32 $0x40, s0  }
.Ltmp0:
0x1a: {  	(pc) =	sbr.rel @p0 .LBB2_2-.Ltmp0, $4  }
0x1b: {  	_ = 	snop  }
0x1c: {  	s18 =	sand.u32 $0xFE00, s18  }
0x1d: {  	s23 =	sand.u32 $0x70, s1;
	s18 =	sshrl.u32 s18, $0x2  }
0x1e: {  	s18 =	sor.u32 s23, s18  }
0x1f: {  	[tilespmem:s18+$0x400] =	vst v0  }
0x20: {  	[spmem:s7] =	stream.linear.scatter [tilespmem:s16], [sflag:$0x6], $0x4000, $0x38;
	[tilespmem:$0x1C000] =	vst v63  }
0x21: {  	_ =	swait.ge [sflag:s17], $0x4000  }
0x22: {  	[sflag:s17] =	ssyncset.done $0x0  }
0x23: {  	s0 =	rddreg [dreg:$0x6];
	[sflag:s17] =	ssyncadd.s32 $0xFFFFC000  }
0x24: {  	[spmem:s0] =	stream.linear.scatter [tilespmem:s16], [sflag:$0x6], $0x4000, $0x38;
	[tilespmem:$0x1C000] =	vst v63  }
0x25: {  	_ =	swait.ge [sflag:s17], $0x4000  }
0x26: {  	[sflag:s17] =	ssyncset.done $0x0  }
0x27: {  	s18 =	rddreg [dreg:$0x7];
	[sflag:s17] =	ssyncadd.s32 $0xFFFFC000  }
0x28: {  	[spmem:s18] =	stream.linear.scatter [tilespmem:s16], [sflag:$0x6], $0x4000, $0x38;
	[tilespmem:$0x1C000] =	vst v63  }
0x29: {  	_ =	swait.ge [sflag:s17], $0x4000  }
0x2a: {  	[sflag:s17] =	ssyncset.done $0x0  }
0x2b: {  	[sflag:s17] =	ssyncadd.s32 $0xFFFFC000  }
0x2c: {  	[spmem:s10] =	stream.linear.scatter [tilespmem:s16], [sflag:$0x6], $0x4000, $0x38;
	[tilespmem:$0x1C000] =	vst v63  }
0x2d: {  	_ =	swait.ge [sflag:s17], $0x4000  }
0x2e: {  	[sflag:s17] =	ssyncset.done $0x0  }
0x2f: {  	[sflag:s17] =	ssyncadd.s32 $0xFFFFC000  }
0x30: {  	[spmem:s11] =	stream.linear.scatter [tilespmem:s16], [sflag:$0x6], $0x3C00, $0x38;
	[tilespmem:$0x1C000] =	vst v63  }
0x31: {  	_ =	swait.ge [sflag:s17], $0x3C00  }
0x32: {  	[sflag:s17] =	ssyncset.done $0x0  }
0x33: {  	[sflag:s17] =	ssyncadd.s32 $0xFFFFC400  }
0x34: {  	s0 =	simm.s32 $0x0;
	[bflag:$0x0] =	sbarrier.arrive $0xFFFF  }
0x35: {  	[tilespmem:s0], [sflag:$0x6] =	stream.linear.gather [hbm4b:s12+s0], $0x100, $0x38;
	[tilespmem:$0x1C000] =	vst v63  }
0x36: {  	_ =	swait.ge [sflag:s17], $0x100  }
0x37: {  	[sflag:s17] =	ssyncset.done $0x0  }
0x38: {  	s1 =	simm.s32 $0x200;
	[sflag:s17] =	ssyncadd.s32 $0xFFFFFF00  }
0x39: {  	[tilespmem:s1], [sflag:$0x6] =	stream.linear.gather [hbm4b:s13+s0], $0x100, $0x38;
	[tilespmem:$0x1C000] =	vst v63  }
0x3a: {  	_ =	swait.ge [sflag:s17], $0x100  }
0x3b: {  	[sflag:s17] =	ssyncset.done $0x0  }
0x3c: {  	[sflag:s17] =	ssyncadd.s32 $0xFFFFFF00  }
0x3d: {  	[tilespmem:s16], [sflag:$0x1] =	stream.indirect.gather [hbm4b:s5+s19], $0x80, s0, s19, $0xb8;
	[tilespmem:$0x1C000] =	vst v63  }
0x3e: {  	_ = 	snop  }
0x3f: {  	[tilespmem:s20], [sflag:$0x1] =	stream.indirect.gather [hbm4b:s5+s19], $0x80, s19, s19, $0xb8;
	[tilespmem:$0x1C000] =	vst v63  }
0x40: {  	s23 =	rddreg [dreg:$0x5]  }
0x41: {  	[tilespmem:s22], [sflag:$0x2] =	stream.indirect.gather [hbm4b:s5+s19], $0x80, s21, s19, $0xb8;
	[tilespmem:$0x1C000] =	vst v63  }
0x42: {  	s8 =	simm.s32 $0xC0;
	s1 =	sadd.s32 $0x0, s23  }
0x43: {  	[tilespmem:s24], [sflag:$0x2] =	stream.indirect.gather [hbm4b:s5+s19], $0x80, s8, s19, $0xb8;
	[tilespmem:$0x1C000] =	vst v63  }
0x44: {  	s1 =	sshrl.u32 s1, $0x3;
	s8 =	simm.s32 $0x100  }
0x45: {  	s23 =	sadd.s32 s2, s1;
	s18 =	sand.u32 $0x100, s8  }
0x46: {  	[tilespmem:s18], [sflag:$0x5] =	stream.linear.gather [hbm4b:s23+s4], $0x100, $0x38;
	[tilespmem:$0x1C000] =	vst v63  }
0x47: {  	s1 =	sadd.s32 s6, s1;
	s9 =	sor.u32 $0x200, s18  }
0x48: {  	[tilespmem:s9], [sflag:$0x5] =	stream.linear.gather [hbm4b:s1+s4], $0x100, $0x38;
	[tilespmem:$0x1C000] =	vst v63  }
0x49: {  	_ =	swait.ge [sflag:s25], $0x2000  }
0x4a: {  	[sflag:s25] =	ssyncset.done $0x0  }
0x4b: {  	[sflag:s25] =	ssyncadd.s32 $0xFFFFE000  }
0x4c: {  	_ =	swait.ge [sflag:s25], $0x2000  }
0x4d: {  	s0 =	sand.u32 $0x100, s0;
	[sflag:s25] =	ssyncset.done $0x0  }
0x4e: {  	s23 =	sor.u32 $0x200, s0;
	[sflag:s25] =	ssyncadd.s32 $0xFFFFE000  }
0x4f: {  	[spmem:s3] =	stream.indirect.scatter.add.f32 [tilespmem:s16], [sflag:$0x3], $0x80, s23, s21, $0xb8;
	[tilespmem:$0x1C000] =	vst v63  }
0x50: {  	_ =	swait.ge [sflag:s26], $0x2000  }
0x51: {  	[sflag:s26] =	ssyncset.done $0x0  }
0x52: {  	[sflag:s26] =	ssyncadd.s32 $0xFFFFE000  }
0x53: {  	_ =	swait.ge [sflag:s26], $0x2000  }
0x54: {  	[sflag:s26] =	ssyncset.done $0x0  }
0x55: {  	s0 =	sor.u32 $0x280, s0;
	[sflag:s26] =	ssyncadd.s32 $0xFFFFE000  }
0x56: {  	[spmem:s3] =	stream.indirect.scatter.add.f32 [tilespmem:s22], [sflag:$0x4], $0x80, s0, s21, $0xb8;
	[tilespmem:$0x1C000] =	vst v63  }
0x57: {  	_ =	swait.ge [sflag:s28], $0x100  }
0x58: {  	[sflag:s28] =	ssyncset.done $0x0  }
0x59: {  	[sflag:s28] =	ssyncadd.s32 $0xFFFFFF00  }
0x5a: {  	_ =	swait.ge [sflag:s28], $0x100  }
0x5b: {  	[sflag:s28] =	ssyncset.done $0x0  }
0x5c: {  	[sflag:s28] =	ssyncadd.s32 $0xFFFFFF00  }
0x5d: {  	_ =	swait.ge [sflag:s29], $0x4000  }
0x5e: {  	[sflag:s29] =	ssyncset.done $0x0  }
0x5f: {  	[sflag:s29] =	ssyncadd.s32 $0xFFFFC000  }
0x60: {  	[tilespmem:s16], [sflag:$0x1] =	stream.indirect.gather [hbm4b:s5+s19], $0x80, s18, s19, $0xb8;
	[tilespmem:$0x1C000] =	vst v63  }
0x61: {  	s8 =	sor.u32 $0x40, s18  }
0x62: {  	[tilespmem:s20], [sflag:$0x1] =	stream.indirect.gather [hbm4b:s5+s19], $0x80, s8, s19, $0xb8;
	[tilespmem:$0x1C000] =	vst v63  }
0x63: {  	_ =	swait.ge [sflag:s30], $0x4000  }
0x64: {  	s9 =	rddreg [dreg:$0x4]  }
0x65: {  	p0 =	sne.s32 s9, $0x100  }
.Ltmp1:
0x66: {  	_ = 	snop;
	(pc) =	sbr.rel @!p0 .LBB2_5-.Ltmp1, $4  }
0x67: {  	_ = 	snop  }
0x68: {  	s1 =	simm.s32 $0x2;
	s23 =	sor.u32 $0x80, s18;
	[sflag:s30] =	ssyncset.done $0x0  }
0x69: {  	s0 =	simm.s32 $0x100;
	s18 =	sor.u32 $0xC0, s18;
	[sflag:s30] =	ssyncadd.s32 $0xFFFFC000  }
0x6a: {  	[tilespmem:s22], [sflag:$0x2] =	stream.indirect.gather [hbm4b:s5+s19], $0x80, s23, s19, $0xb8;
	[tilespmem:$0x1C000] =	vst v63  }
.LBB2_4:
0x6b: {  	[tilespmem:s24], [sflag:$0x2] =	stream.indirect.gather [hbm4b:s5+s19], $0x80, s18, s19, $0xb8;
	[tilespmem:$0x1C000] =	vst v63  }
0x6c: {  	s9 =	rddreg [dreg:$0x5];
	s23 =	smov.u32 s0  }
0x6d: {  	s18 =	sadd.s32 s23, s9  }
0x6e: {  	s8 =	sshll.u32 s1, $0x8;
	s9 =	sshrl.u32 s18, $0x3  }
0x6f: {  	s18 =	sand.u32 $0x100, s8;
	s8 =	sadd.s32 s2, s9  }
0x70: {  	[tilespmem:s18], [sflag:$0x5] =	stream.linear.gather [hbm4b:s8+s4], $0x100, $0x38;
	[tilespmem:$0x1C000] =	vst v63  }
0x71: {  	s9 =	sadd.s32 s6, s9;
	s8 =	sor.u32 $0x200, s18  }
0x72: {  	[tilespmem:s8], [sflag:$0x5] =	stream.linear.gather [hbm4b:s9+s4], $0x100, $0x38;
	[tilespmem:$0x1C000] =	vst v63  }
0x73: {  	_ =	swait.ge [sflag:s25], $0x2000  }
0x74: {  	[sflag:s25] =	ssyncset.done $0x0  }
0x75: {  	[sflag:s25] =	ssyncadd.s32 $0xFFFFE000  }
0x76: {  	_ =	swait.ge [sflag:s25], $0x2000  }
0x77: {  	s8 =	sand.u32 $0x100, s23;
	[sflag:s25] =	ssyncset.done $0x0  }
0x78: {  	s23 =	sor.u32 $0x200, s8;
	[sflag:s25] =	ssyncadd.s32 $0xFFFFE000  }
0x79: {  	[spmem:s3] =	stream.indirect.scatter.add.f32 [tilespmem:s16], [sflag:$0x3], $0x80, s23, s21, $0xb8;
	[tilespmem:$0x1C000] =	vst v63  }
0x7a: {  	_ =	swait.ge [sflag:s26], $0x2000  }
0x7b: {  	[sflag:s26] =	ssyncset.done $0x0  }
0x7c: {  	[sflag:s26] =	ssyncadd.s32 $0xFFFFE000  }
0x7d: {  	_ =	swait.ge [sflag:s26], $0x2000  }
0x7e: {  	[sflag:s26] =	ssyncset.done $0x0  }
0x7f: {  	s8 =	sor.u32 $0x280, s8;
	[sflag:s26] =	ssyncadd.s32 $0xFFFFE000  }
0x80: {  	[spmem:s3] =	stream.indirect.scatter.add.f32 [tilespmem:s22], [sflag:$0x4], $0x80, s8, s21, $0xb8;
	[tilespmem:$0x1C000] =	vst v63  }
0x81: {  	_ =	swait.ge [sflag:s28], $0x100  }
0x82: {  	[sflag:s28] =	ssyncset.done $0x0  }
0x83: {  	[sflag:s28] =	ssyncadd.s32 $0xFFFFFF00  }
0x84: {  	_ =	swait.ge [sflag:s28], $0x100  }
0x85: {  	[sflag:s28] =	ssyncset.done $0x0  }
0x86: {  	[sflag:s28] =	ssyncadd.s32 $0xFFFFFF00  }
0x87: {  	_ =	swait.ge [sflag:s29], $0x4000  }
0x88: {  	[sflag:s29] =	ssyncset.done $0x0  }
0x89: {  	[sflag:s29] =	ssyncadd.s32 $0xFFFFC000  }
0x8a: {  	[tilespmem:s16], [sflag:$0x1] =	stream.indirect.gather [hbm4b:s5+s19], $0x80, s18, s19, $0xb8;
	[tilespmem:$0x1C000] =	vst v63  }
0x8b: {  	s9 =	sor.u32 $0x40, s18  }
0x8c: {  	[tilespmem:s20], [sflag:$0x1] =	stream.indirect.gather [hbm4b:s5+s19], $0x80, s9, s19, $0xb8;
	[tilespmem:$0x1C000] =	vst v63  }
0x8d: {  	_ =	swait.ge [sflag:s30], $0x4000  }
0x8e: {  	s0 =	sadd.s32 $0x100, s0;
	s8 =	rddreg [dreg:$0x4]  }
0x8f: {  	p0 =	sne.s32 s8, s0  }
.Ltmp2:
0x90: {  	_ = 	snop;
	(pc) =	sbr.rel @p0 .LBB2_4-.Ltmp2, $4  }
0x91: {  	_ = 	snop  }
0x92: {  	s1 =	sadd.s32 $0x1, s1;
	[sflag:s30] =	ssyncset.done $0x0  }
0x93: {  	s23 =	sor.u32 $0x80, s18;
	s18 =	sor.u32 $0xC0, s18;
	[sflag:s30] =	ssyncadd.s32 $0xFFFFC000  }
0x94: {  	[tilespmem:s22], [sflag:$0x2] =	stream.indirect.gather [hbm4b:s5+s19], $0x80, s23, s19, $0xb8;
	[tilespmem:$0x1C000] =	vst v63  }
.LBB2_5:
0x95: {  	[tilespmem:s24], [sflag:$0x2] =	stream.indirect.gather [hbm4b:s5+s19], $0x80, s18, s19, $0xb8;
	[tilespmem:$0x1C000] =	vst v63  }
0x96: {  	_ =	swait.ge [sflag:s25], $0x2000  }
0x97: {  	[sflag:s25] =	ssyncset.done $0x0  }
0x98: {  	[sflag:s25] =	ssyncadd.s32 $0xFFFFE000  }
0x99: {  	_ =	swait.ge [sflag:s25], $0x2000  }
0x9a: {  	s0 =	sand.u32 $0x100, s0;
	[sflag:s25] =	ssyncset.done $0x0  }
0x9b: {  	s1 =	sor.u32 $0x200, s0;
	[sflag:s25] =	ssyncadd.s32 $0xFFFFE000  }
0x9c: {  	[spmem:s3] =	stream.indirect.scatter.add.f32 [tilespmem:s16], [sflag:$0x3], $0x80, s1, s21, $0xb8;
	[tilespmem:$0x1C000] =	vst v63  }
0x9d: {  	_ =	swait.ge [sflag:s26], $0x2000  }
0x9e: {  	[sflag:s26] =	ssyncset.done $0x0  }
0x9f: {  	[sflag:s26] =	ssyncadd.s32 $0xFFFFE000  }
0xa0: {  	_ =	swait.ge [sflag:s26], $0x2000  }
0xa1: {  	[sflag:s26] =	ssyncset.done $0x0  }
0xa2: {  	s0 =	sor.u32 $0x280, s0;
	[sflag:s26] =	ssyncadd.s32 $0xFFFFE000  }
0xa3: {  	[spmem:s3] =	stream.indirect.scatter.add.f32 [tilespmem:s22], [sflag:$0x4], $0x80, s0, s21, $0xb8;
	[tilespmem:$0x1C000] =	vst v63  }
0xa4: {  	_ =	swait.ge [sflag:s29], $0x4000  }
0xa5: {  	[sflag:s29] =	ssyncset.done $0x0  }
0xa6: {  	[sflag:s29] =	ssyncadd.s32 $0xFFFFC000  }
0xa7: {  	s18 =	stileid.u32;
	_ =	swait.ge [sflag:s30], $0x4000  }
0xa8: {  	s23 =	sshrl.u32 s7, $0x3;
	s31 =	sadd.s32 $0x1, s31;
	[sflag:s30] =	ssyncset.done $0x0  }
0xa9: {  	p0 =	sne.s32 s31, s15;
	s0 =	sshll.u32 s18, $0x6;
	[sflag:s30] =	ssyncadd.s32 $0xFFFFC000  }
.Ltmp3:
0xaa: {  	s0 =	sor.u32 $0x1C06, s0;
	[bflag:$0x0] =	sbarrier.arrive $0xFFFF;
	(pc) =	sbr.rel @p0 .LBB2_1-.Ltmp3, $4  }
0xab: {  	[hbm:s14], [sflag:s0] =	dma.local [spmem:s23], $0x2780  }
0xac: {  	_ =	swait.ge [sflag:s17], $0x2780  }
0xad: {  	[sflag:s17] =	ssyncset.done $0x0  }
0xae: {  	[sflag:s17] =	ssyncadd.s32 $0xFFFFD880  }
0xaf: {  	_ =	sfence.sel $0x180000  }
0xb0: {  	[bflag:$0x0] =	sbarrier.arrive $0xFFFF  }
0xb1: {  	_ =	strace $0x9000004A  }
0xb2: {  	s0 =	stileid.u32;
	[bflag:$0x2] =	sbarrier.arrive $0xFFFF  }
0xb3: {  	p0 =	sne.s32 s0, $0x0;
	s0 =	rddreg [dreg:$0x3]  }
0xb4: {  	s0 =	sadd.s32 @!p0 $0x100000, s0  }
0xb5: {  	[sflag:s0] =	ssyncadd.tile.s32 @!p0 $0x1;
	_ =	shalt  }
.Lfunc_end2:
_tile_overlayer_lowered:
.L_overlay_start_2:
0xb6: {  	(tag) =	ssettag $0x2  }
0xb7: {  	s0 =	rddreg [dreg:$0x0];
	s2 =	stileid.u32  }
0xb8: {  	s1 =	rddreg [dreg:$0x1];
	p0 =	sne.s32 s2, $0x0  }
0xb9: {  	s3 =	rddreg [dreg:$0x2];
	[bflag:$0x3] =	sbarrier.arrive $0xFFFF;
	s2 =	simm.s32 @!p0 $0x1C06  }
0xba: {  	[timem:s3], [sflag:s2] =	dma.local @!p0 [hbm:s0], s1  }
0xbb: {  	s0 =	simm.s32 @!p0 $0x6  }
0xbc: {  	_ =	swait.ge @!p0 [sflag:s0], s1  }
0xbd: {  	s1 =	ssub.s32 @!p0 $0x0, s1;
	[sflag:s0] =	ssyncset.done @!p0 $0x0  }
0xbe: {  	[sflag:s0] =	ssyncadd.s32 @!p0 s1  }
0xbf: {  	[bflag:$0x3] =	sbarrier.arrive $0xFFFF  }
0xc0: {  	_ =	shalt  }

// kernel: kernel.8.cloned.1.call-start
scs
__scs_entry_jumppad:
0x0: {  	(pc) =	sbr.rel $0x88, $3  }
0x1: {  	(tag) =	ssettag $0x0;
	lr =	simm.s32 $0x1  }
0x2: {  	[smem:$0x3F9A] =	sst lr;
	_ =	strace $0xD0000000  }
0x3: {  	_ = 	snop  }
0x4: {  	_ = 	snop  }
0x5: {  	_ = 	snop  }
0x6: {  	_ = 	snop  }
0x7: {  	_ = 	snop  }
__scs_overlays_trampoline_lowered:
0x8: {  	[smem:$0x3FA9] =	sst s0  }
0x9: {  	[smem:$0x3FAA] =	sst s1  }
0xa: {  	[smem:$0x3FAB] =	sst s2  }
0xb: {  	[smem:$0x3FAC] =	sst s3  }
0xc: {  	[smem:$0x3FAD] =	sst s4  }
0xd: {  	[smem:$0x3FAE] =	sst s5  }
0xe: {  	[smem:$0x3FAF] =	sst s6  }
0xf: {  	[smem:$0x3FB0] =	sst s7  }
0x10: {  	[smem:$0x3FB1] =	sst s8  }
0x11: {  	[smem:$0x3FB2] =	sst s9;
	s0 =	simm.s32 @!p0 $0x0  }
0x12: {  	s1 =	sld [smem:$0x3F98];
	s0 =	simm.s32 @p0 $0x1  }
0x13: {  	[smem:$0x3FB3] =	sst s0;
	s0 =	simm.s32 @!p1 $0x0  }
0x14: {  	s2 =	sld [smem:$0x3F97];
	s0 =	simm.s32 @p1 $0x1  }
0x15: {  	[smem:$0x3FB4] =	sst s0;
	s0 =	simm.s32 @!p2 $0x0  }
0x16: {  	s3 =	sld [smem:$0x3FDB];
	s0 =	simm.s32 @p2 $0x1  }
0x17: {  	s4 =	simm.s32 $0x1BF5;
	[smem:$0x3FB6] =	sst s0  }
0x18: {  	s0 =	sld [smem:$0x3F99];
	_ =	swait.ge [sflag:s4], $0x0  }
0x19: {  	s7 =	sld [smem:$0x3F9A]  }
0x1a: {  	s8 =	sadd.s32 $0xFFFFE003, lr  }
0x1b: {  	s9 =	sadd.s32 $0xFFFFFEF7, lr;
	s5 =	simm.s32 $0xFFFFFFFF;
	p2 =	slt.u32 s8, $0xFFFFF086  }
0x1c: {  	p1 =	slt.u32 s9, $0xF7A;
	s5 =	simm.s32 @!p2 $0x0  }
0x1d: {  	s5 =	simm.s32 @p1 $0x1;
	p0 =	seq.s32 s7, s2  }
0x1e: {  	s7 =	smul.u32 @!p0 $0xF7A, s2;
	p2 =	seq.s32 @!p0 s5, $0x0  }
0x1f: {  	s9 =	smul.u32 $0xF7A, s1;
	s8 =	simm.s32 @!p0 $0x1BF5;
	p2 =	por !p2, p0  }
0x20: {  	[sflag:s8] =	ssyncset.s32 @!p0 $0xFFFFF086;
	s6 =	sadd.s32 @!p0 s3, s7;
	s7 =	simm.s32 @!p0 $0x108  }
0x21: {  	s3 =	sadd.s32 s3, s9;
	s6 =	sadd.s32 @!p0 $0x88, s6;
	s7 =	simm.s32 @p2 $0x1082  }
0x22: {  	[simem:s7], [sflag:s8] =	dma.local @!p0 [hbm:s6], $0xF7A  }
0x23: {  	s9 =	sor.u32 $0xD0000000, s2;
	s6 =	simm.s32 $0x108;
	_ =	swait.ge @!p0 [sflag:s8], $0x0  }
0x24: {  	s3 =	sadd.s32 $0x88, s3;
	s6 =	simm.s32 @!p1 $0x1082;
	[sflag:s4] =	ssyncset.s32 $0xFFFFF086  }
0x25: {  	[simem:s6], [sflag:s4] =	dma.local [hbm:s3], $0xF7A  }
0x26: {  	[smem:$0x3F9A] =	sst s1;
	(tag) =	ssettag s2;
	_ =	strace s9  }
0x27: {  	s1 =	sld [smem:$0x3FAA]  }
0x28: {  	s2 =	sld [smem:$0x3FAB]  }
0x29: {  	s4 =	sld [smem:$0x3FAD]  }
0x2a: {  	p0 =	seq.s32 s5, $0x0;
	s5 =	sld [smem:$0x3FAE]  }
0x2b: {  	s6 =	sld [smem:$0x3FAF]  }
0x2c: {  	s7 =	sld [smem:$0x3FB0]  }
0x2d: {  	s3 =	simm.s32 $0x108;
	s8 =	sld [smem:$0x3FB1]  }
0x2e: {  	s3 =	simm.s32 @!p0 $0x1082;
	s9 =	sld [smem:$0x3FB2]  }
0x2f: {  	lr =	sadd.s32 s0, s3;
	s0 =	sld [smem:$0x3FA9]  }
0x30: {  	s3 =	sld [smem:$0x3FAC]  }
0x31: {  	[smem:$0x3FB5] =	sst s10  }
0x32: {  	s10 =	sld [smem:$0x3FB3];
	_ =	sdelay $0x3  }
0x33: {  	p0 =	seq.s32 s10, $0x1;
	s10 =	sld [smem:$0x3FB5];
	_ =	sdelay $0x3  }
0x34: {  	[smem:$0x3FB5] =	sst s10  }
0x35: {  	s10 =	sld [smem:$0x3FB4];
	_ =	sdelay $0x3  }
0x36: {  	p1 =	seq.s32 s10, $0x1;
	s10 =	sld [smem:$0x3FB5];
	_ =	sdelay $0x3  }
0x37: {  	[smem:$0x3FB5] =	sst s10  }
0x38: {  	s10 =	sld [smem:$0x3FB6]  }
0x39: {  	_ = 	snop;
	(pc) =	sbr.ind lr, $3  }
0x3a: {  	_ = 	snop  }
0x3b: {  	_ = 	snop  }
0x3c: {  	p2 =	seq.s32 s10, $0x1;
	s10 =	sld [smem:$0x3FB5]  }
0x3d: {  	_ =	shalt  }
0x3e: {  	_ =	shalt  }
0x3f: {  	_ =	shalt  }
0x40: {  	_ =	shalt  }
0x41: {  	_ =	shalt  }
0x42: {  	_ =	shalt  }
0x43: {  	_ =	shalt  }
0x44: {  	_ =	shalt  }
0x45: {  	_ =	shalt  }
0x46: {  	_ =	shalt  }
0x47: {  	_ =	shalt  }
0x48: {  	_ =	shalt  }
0x49: {  	_ =	shalt  }
0x4a: {  	_ =	shalt  }
0x4b: {  	_ =	shalt  }
0x4c: {  	_ =	shalt  }
0x4d: {  	_ =	shalt  }
0x4e: {  	_ =	shalt  }
0x4f: {  	_ =	shalt  }
0x50: {  	_ =	shalt  }
0x51: {  	_ =	shalt  }
0x52: {  	_ =	shalt  }
0x53: {  	_ =	shalt  }
0x54: {  	_ =	shalt  }
0x55: {  	_ =	shalt  }
0x56: {  	_ =	shalt  }
0x57: {  	_ =	shalt  }
0x58: {  	_ =	shalt  }
0x59: {  	_ =	shalt  }
0x5a: {  	_ =	shalt  }
0x5b: {  	_ =	shalt  }
0x5c: {  	_ =	shalt  }
0x5d: {  	_ =	shalt  }
0x5e: {  	_ =	shalt  }
0x5f: {  	_ =	shalt  }
0x60: {  	_ =	shalt  }
0x61: {  	_ =	shalt  }
0x62: {  	_ =	shalt  }
0x63: {  	_ =	shalt  }
0x64: {  	_ =	shalt  }
0x65: {  	_ =	shalt  }
0x66: {  	_ =	shalt  }
0x67: {  	_ =	shalt  }
0x68: {  	_ =	shalt  }
0x69: {  	_ =	shalt  }
0x6a: {  	_ =	shalt  }
0x6b: {  	_ =	shalt  }
0x6c: {  	_ =	shalt  }
0x6d: {  	_ =	shalt  }
0x6e: {  	_ =	shalt  }
0x6f: {  	_ =	shalt  }
0x70: {  	_ =	shalt  }
0x71: {  	_ =	shalt  }
0x72: {  	_ =	shalt  }
0x73: {  	_ =	shalt  }
0x74: {  	_ =	shalt  }
0x75: {  	_ =	shalt  }
0x76: {  	_ =	shalt  }
0x77: {  	_ =	shalt  }
0x78: {  	_ =	shalt  }
0x79: {  	_ =	shalt  }
0x7a: {  	_ =	shalt  }
0x7b: {  	_ =	shalt  }
0x7c: {  	_ =	shalt  }
0x7d: {  	_ =	shalt  }
0x7e: {  	_ =	shalt  }
0x7f: {  	_ =	shalt  }
0x80: {  	_ =	shalt  }
0x81: {  	_ =	shalt  }
0x82: {  	_ =	shalt  }
0x83: {  	_ =	shalt  }
0x84: {  	_ =	shalt  }
0x85: {  	_ =	shalt  }
0x86: {  	_ =	shalt  }
0x87: {  	_ =	shalt  }
.Lfunc_end0:
.L_simem_size_0:
called_computation.1_lowered:
.L_overlay_start_0:
0x88: {  	s2 =	sld [smem:$0x3FD9]  }
0x89: {  	s3 =	sld [smem:$0x3FFE];
	_ =	sdelay $0x1  }
0x8a: {  	s1 =	srdreg.scid  }
0x8b: {  	s0 =	sand.u32 $0x1, s1  }
0x8c: {  	s16 =	sshll.u32 s0, $0xA;
	s2 =	sadd.s32 s3, s2  }
0x8d: {  	s2 =	sadd.s32 s2, s16  }
0x8e: {  	[smem:$0x3FC1] =	sst s2  }
0x8f: {  	_ = 	snop  }
0x90: {  	(tm) =	ssettm $0x1  }
0x91: {  	s17 =	sld [smem:$0x3FFB];
	_ =	sdelay $0x3  }
0x92: {  	_ =	strace s17  }
0x93: {  	s2 =	sld [smem:$0x3FFC];
	_ =	sdelay $0x3  }
0x94: {  	_ =	strace s2  }
0x95: {  	s2 =	sld [smem:$0x3FFD];
	_ =	sdelay $0x3  }
0x96: {  	_ =	strace s2  }
0x97: {  	_ =	strace $0x8FFFFFFF  }
0x98: {  	s18 =	sld [smem:$0x3FDB];
	_ =	sdelay $0x1  }
0x99: {  	s19 =	simm.s32 $_scs_section_size  }
0x9a: {  	s4 =	simm.s32 $_size__tile_overlayer_lowered;
	s5 =	simm.s32 $_tile_overlayer_lowered  }
0x9b: {  	s22 =	simm.s32 $0x1BFF;
	s21 =	sshll.u32 s5, $0x1;
	s2 =	sadd.s32 s19, s18  }
0x9c: {  	s6 =	simm.s32 $0x0;
	s20 =	sshll.u32 s4, $0x1;
	s4 =	sadd.s32 s21, s2  }
0x9d: {  	[timem:s6], [sflag:s22] =	dma.local [hbm:s4], s20  }
0x9e: {  	_ =	swait.ge [sflag:s22], s20  }
0x9f: {  	s3 =	ssub.s32 $0x0, s20;
	[sflag:s22] =	ssyncset.done $0x0  }
0xa0: {  	[sflag:s22] =	ssyncadd.s32 s3;
	_ =	sdelay $0x1  }
0xa1: {  	s23 =	simm.s32 $0x1B8B  }
0xa2: {  	_ =	swait.ge [sflag:s23], $0x1  }
0xa3: {  	[sflag:s23] =	ssyncset.done $0x0  }
0xa4: {  	s25 =	simm.s32 $0x1B8E;
	s24 =	sld [smem:$0x3FFE];
	[sflag:s23] =	ssyncadd.s32 $0xFFFFFFFF  }
0xa5: {  	s26 =	simm.s32 $execute0_lowered;
	[smem:$0x3FD2] =	sst s25  }
0xa6: {  	s4 =	sshll.u32 s26, $0x1;
	_ =	strace $0x80000046;
	[dreg:$0x1] =	wrdreg $0xFFFFFFFF  }
0xa7: {  	s28 =	simm.s32 $_size_execute0_lowered;
	s2 =	sadd.s32 s2, s4;
	[dreg:$0x0] =	wrdreg $0x0  }
0xa8: {  	s4 =	sshll.u32 s28, $0x1;
	[dreg:$0x2] =	wrdreg s2  }
0xa9: {  	[dreg:$0x3] =	wrdreg s4  }
0xaa: {  	[dreg:$0x4] =	wrdreg $0xC0  }
0xab: {  	_ =	task [dreg:s6], $0x5FFFF  }
0xac: {  	[dreg:$0x1] =	wrdreg $0xFFFFFFFF  }
0xad: {  	[dreg:$0x0] =	wrdreg $0x60  }
0xae: {  	[dreg:$0x2] =	wrdreg s24  }
0xaf: {  	[dreg:$0x3] =	wrdreg $0x7A800  }
0xb0: {  	[dreg:$0x4] =	wrdreg $0xA  }
0xb1: {  	_ =	task.clear_ibuf [dreg:s6], $0x5FFFF;
	_ =	strace $0x90000046  }
0xb2: {  	s29 =	simm.s32 $0xA;
	_ =	strace $0x80000048  }
0xb3: {  	_ =	swait.ge [sflag:s29], $0x1  }
0xb4: {  	[sflag:s29] =	ssyncadd.s32 $0xFFFFFFFF  }
0xb5: {  	_ =	strace $0x90000048  }
0xb6: {  	_ =	sfence  }
0xb7: {  	s30 =	sld [smem:$0x0];
	_ =	sdelay $0x2  }
0xb8: {  	s31 =	sshll.u32 s1, $0xD;
	s1 =	sshrl.u32 s1, $0x2  }
0xb9: {  	s3 =	sand.u32 $0x4000, s31;
	s1 =	sadd.s32 s1, s30  }
0xba: {  	s0 =	sor.u32 s3, s0;
	s1 =	sshll.u32 s1, $0x11  }
0xbb: {  	s0 =	sor.u32 s1, s0  }
0xbc: {  	s0 =	sadd.s32 $0x8F2B, s0  }
0xbd: {  	[sflag:s0] =	ssyncadd.remote.s32 $0x1  }
0xbe: {  	_ =	sfence.sel $0xFFFF  }
0xbf: {  	[dreg:$0x0] =	wrdreg $0xFFFFFFFF;
	(pc) =	sbr.abs _section_cstart, $3  }
0xc0: {  	[dreg:$0x1] =	wrdreg $0xFFFFFFFF  }
0xc1: {  	_ =	task.clear_ibuf [dreg:s6], $0x2FFFF;
	_ =	strace $0x9FFFFFFF  }
0xc2: {  	(tm) =	ssettm $0x7FFFFFFF  }
0xc3: {  	_ =	shalt  }
tec
execute0_lowered:
.L_overlay_start_1:
0x0: {  	(tag) =	ssettag $0x1  }
0x1: {  	s4 =	rddreg [dreg:$0x0]  }
0x2: {  	s0 =	srdreg.scid;
	s5 =	rddreg [dreg:$0x1];
	s2 =	simm.s32 $0x0  }
0x3: {  	s12 =	simm.s32 $0x1400;
	s13 =	simm.s32 $0x14000;
	s14 =	simm.s32 $0x5000  }
0x4: {  	s15 =	simm.s32 $0x100;
	s16 =	simm.s32 $0x7800;
	s3 =	sand.u32 $0x1, s0  }
0x5: {  	s0 =	stileid.u32;
	[smem:$0x7FF] =	sst s2;
	s1 =	sshll.u32 s3, $0x4  }
0x6: {  	s7 =	sshll.u32 s0, $0x7;
	s8 =	smul.u32 $0x500, s0;
	s9 =	sshll.u32 s3, $0x7  }
0x7: {  	s10 =	sshrl.u32 s0, $0x3;
	s3 =	ssub.s32 $0x2, s3;
	s11 =	smul.u32 $0x5000, s0  }
0x8: {  	s6 =	sor.u32 s0, s1;
	s1 =	rddreg [dreg:$0x2];
	_ =	strace $0x80000047  }
0x9: {  	s7 =	sand.u32 $0x380, s7;
	s28 =	smul.u32 $0x50000, s10;
	s6 =	sshrl.u32 s6, $0x3  }
0xa: {  	s29 =	sshrl.u32 s3, $0x1;
	s8 =	sor.u32 s9, s8;
	s6 =	smul.u32 $0x14000, s6  }
0xb: {  	s10 =	ssub.s32 s3, s29;
	s31 =	sshrl.u32 s11, $0x2;
	s11 =	simm.s32 $0x2800  }
0xc: {  	s8 =	sshrl.u32 s8, $0x3;
	s9 =	sshrl.u32 s28, $0x2;
	s6 =	sor.u32 s7, s6  }
0xd: {  	s8 =	sadd.s32 s8, s4;
	s30 =	sadd.s32 s9, s5;
	s6 =	sshrl.u32 s6, $0x3  }
0xe: {  	s5 =	sadd.s32 s31, s5;
	s9 =	simm.s32 $0x400;
	s6 =	sadd.s32 s6, s4  }
0xf: {  	s4 =	sadd.s32 s7, s30;
	s7 =	smax.u32 s10, $0x1;
	s10 =	simm.s32 $0x1  }
0x10: {  	v0 =	vimm.f32 $0.0e+00;
	v1 =	vimm.f32 $1.000000000e+00;
	s3 =	sadd.s32 $0xA00, s6;
	s6 =	sadd.s32 $0xAA00, s8;
	s8 =	simm.s32 $0x80  }
.LBB2_1:
0x11: {  	s17 =	simm.s32 $0x40;
	s18 =	simm.s32 $0x0  }
.LBB2_2:
0x12: {  	p0 =	sne.s32 s17, $0x9FC0;
	[tilespmem:s18+$0x2800] =	vst v0;
	s18 =	smov.u32 s17;
	s17 =	sadd.s32 $0x40, s17  }
.Ltmp0:
0x13: {  	(pc) =	sbr.rel @p0 .LBB2_2-.Ltmp0, $2  }
0x14: {  	_ =	sdelay $0x2  }
0x15: {  	s18 =	sshra.s32 s18, $0x2  }
0x16: {  	[tilespmem:s18+$0x2800] =	vst v0;
	s17 =	simm.s32 $0x0  }
0x17: {  	[tilespmem:s17], [sflag:$0x1] =	stream.strided.gather [hbm4b:s3+s8], $0x2800, s9, s8, $0x38;
	[tilespmem:$0xA280] =	vst v63  }
0x18: {  	_ =	swait.ge [sflag:s10], $0x2800  }
0x19: {  	[sflag:s10] =	ssyncset.done $0x0  }
0x1a: {  	s18 =	simm.s32 $0x0;
	s17 =	simm.s32 $0x40;
	[sflag:s10] =	ssyncadd.s32 $0xFFFFD800  }
.LBB2_4:
0x1b: {  	p0 =	sne.s32 s17, $0x9FC0;
	v2 =	vld [tilespmem:s18+$0x0];
	_ =	sdelay $0x3  }
.Ltmp1:
0x1c: {  	(pc) =	sbr.rel @p0 .LBB2_4-.Ltmp1, $2  }
0x1d: {  	_ =	sdelay $0x2  }
0x1e: {  	s18 =	sshra.s32 s17, $0x2;
	s17 =	sadd.s32 $0x40, s17;
	[tilespmem:v2+s11+$0x0] =	vst.idx.add.f32.msk $0xffff, v1  }
0x1f: {  	v2 =	vld [tilespmem:s18+$0x0];
	_ =	sdelay $0x7  }
0x20: {  	[tilespmem:v2+s11+$0x0] =	vst.idx.add.f32.msk $0xffff, v1  }
0x21: {  	[spmem:s4] =	stream.strided.scatter [tilespmem:s11], [sflag:$0x1], $0x2800, s9, s8, $0x38;
	[tilespmem:$0xA280] =	vst v63  }
0x22: {  	_ =	swait.ge [sflag:s10], $0x2800  }
0x23: {  	[sflag:s10] =	ssyncset.done $0x0  }
0x24: {  	[sflag:s10] =	ssyncadd.s32 $0xFFFFD800  }
0x25: {  	[bflag:$0x0] =	sbarrier.arrive $0xFFFF  }
0x26: {  	[tilespmem:s14], [sflag:$0x1] =	stream.strided.gather [spmem:s5], $0x2800, s13, s12, $0x38;
	[tilespmem:$0xA280] =	vst v63  }
0x27: {  	s17 =	simm.s32 $0x0;
	_ =	swait.ge [sflag:s10], $0x2800  }
0x28: {  	s30 =	sand.u32 $0x70, s17;
	s17 =	sand.u32 $0x1C00, s17;
	[sflag:s10] =	ssyncset.done $0x0  }
0x29: {  	s17 =	sor.u32 s30, s17;
	[sflag:s10] =	ssyncadd.s32 $0xFFFFD800  }
0x2a: {  	v2 =	vld [tilespmem:s17+$0x5080]  }
0x2b: {  	v3 =	vld [tilespmem:s17+$0x5000];
	_ =	sdelay $0x1  }
0x2c: {  	v4 =	vld [tilespmem:s17+$0x5100];
	_ =	sdelay $0x1  }
0x2d: {  	v5 =	vld [tilespmem:s17+$0x5180]  }
0x2e: {  	v2 =	vadd.f32 v2, v3  }
0x2f: {  	v3 =	vld [tilespmem:s17+$0x5200]  }
0x30: {  	v2 =	vadd.f32 v4, v2  }
0x31: {  	v56 =	vld [tilespmem:s17+$0x5280]  }
0x32: {  	v2 =	vadd.f32 v5, v2  }
0x33: {  	v57 =	vld [tilespmem:s17+$0x5300]  }
0x34: {  	v2 =	vadd.f32 v3, v2  }
0x35: {  	v3 =	vld [tilespmem:s17+$0x5380]  }
0x36: {  	v2 =	vadd.f32 v56, v2  }
0x37: {  	v58 =	vld [tilespmem:s17+$0x6400]  }
0x38: {  	v2 =	vadd.f32 v57, v2  }
0x39: {  	v59 =	vld [tilespmem:s17+$0x6480]  }
0x3a: {  	v2 =	vadd.f32 v3, v2  }
0x3b: {  	v3 =	vld [tilespmem:s17+$0x6500]  }
0x3c: {  	v2 =	vadd.f32 v58, v2  }
0x3d: {  	v60 =	vld [tilespmem:s17+$0x6580]  }
0x3e: {  	v2 =	vadd.f32 v59, v2  }
0x3f: {  	v61 =	vld [tilespmem:s17+$0x6600]  }
0x40: {  	v2 =	vadd.f32 v3, v2  }
0x41: {  	v3 =	vld [tilespmem:s17+$0x6680]  }
0x42: {  	v2 =	vadd.f32 v60, v2  }
0x43: {  	v62 =	vld [tilespmem:s17+$0x6700]  }
0x44: {  	v2 =	vadd.f32 v61, v2  }
0x45: {  	v63 =	vld [tilespmem:s17+$0x6780]  }
0x46: {  	v2 =	vadd.f32 v3, v2;
	_ =	sdelay $0x1  }
0x47: {  	v2 =	vadd.f32 v62, v2;
	_ =	sdelay $0x1  }
0x48: {  	s31 =	simm.s32 $0x10;
	s19 =	simm.s32 $0x80;
	v2 =	vadd.f32 v63, v2  }
0x49: {  	s18 =	sand.u32 $0x70, s31;
	s20 =	sand.u32 $0x1C00, s19;
	s17 =	simm.s32 $0x7800  }
0x4a: {  	s18 =	sor.u32 s18, s20;
	s20 =	simm.s32 $0x20;
	[tilespmem:s17+$0x0] =	vst v2  }
.LBB2_6:
0x4b: {  	p0 =	sne.s32 s20, $0x270;
	v2 =	vld [tilespmem:s18+$0x5080]  }
0x4c: {  	v3 =	vld [tilespmem:s18+$0x5000];
	_ =	sdelay $0x1  }
0x4d: {  	v4 =	vld [tilespmem:s18+$0x5100];
	_ =	sdelay $0x1  }
0x4e: {  	v5 =	vld [tilespmem:s18+$0x5180]  }
0x4f: {  	v2 =	vadd.f32 v2, v3  }
0x50: {  	v3 =	vld [tilespmem:s18+$0x5200]  }
0x51: {  	v2 =	vadd.f32 v4, v2  }
0x52: {  	v4 =	vld [tilespmem:s18+$0x5280]  }
0x53: {  	v2 =	vadd.f32 v5, v2  }
0x54: {  	v5 =	vld [tilespmem:s18+$0x5300]  }
0x55: {  	v2 =	vadd.f32 v3, v2  }
0x56: {  	v3 =	vld [tilespmem:s18+$0x5380]  }
0x57: {  	v2 =	vadd.f32 v4, v2  }
0x58: {  	v4 =	vld [tilespmem:s18+$0x6400]  }
0x59: {  	v2 =	vadd.f32 v5, v2  }
0x5a: {  	v5 =	vld [tilespmem:s18+$0x6480]  }
0x5b: {  	v2 =	vadd.f32 v3, v2  }
0x5c: {  	v3 =	vld [tilespmem:s18+$0x6500]  }
0x5d: {  	v2 =	vadd.f32 v4, v2  }
0x5e: {  	v4 =	vld [tilespmem:s18+$0x6580]  }
0x5f: {  	v2 =	vadd.f32 v5, v2  }
0x60: {  	v5 =	vld [tilespmem:s18+$0x6600]  }
0x61: {  	v2 =	vadd.f32 v3, v2  }
0x62: {  	v3 =	vld [tilespmem:s18+$0x6680]  }
0x63: {  	v2 =	vadd.f32 v4, v2  }
0x64: {  	v4 =	vld [tilespmem:s18+$0x6700]  }
0x65: {  	v2 =	vadd.f32 v5, v2  }
0x66: {  	v5 =	vld [tilespmem:s18+$0x6780]  }
0x67: {  	v2 =	vadd.f32 v3, v2;
	_ =	sdelay $0x1  }
.Ltmp2:
0x68: {  	v2 =	vadd.f32 v4, v2;
	(pc) =	sbr.rel @p0 .LBB2_6-.Ltmp2, $4  }
0x69: {  	_ = 	snop  }
0x6a: {  	s19 =	sadd.s32 $0x80, s19;
	v2 =	vadd.f32 v5, v2  }
0x6b: {  	s17 =	sadd.s32 $0x10, s17;
	s21 =	sand.u32 $0x1C00, s19;
	s18 =	sand.u32 $0x70, s20  }
0x6c: {  	s20 =	sadd.s32 $0x10, s20;
	s18 =	sor.u32 s18, s21;
	[tilespmem:s17+$0x0] =	vst v2  }
0x6d: {  	v2 =	vld [tilespmem:s18+$0x5080]  }
0x6e: {  	v3 =	vld [tilespmem:s18+$0x5000];
	_ =	sdelay $0x1  }
0x6f: {  	v4 =	vld [tilespmem:s18+$0x5100];
	_ =	sdelay $0x1  }
0x70: {  	v5 =	vld [tilespmem:s18+$0x5180]  }
0x71: {  	v2 =	vadd.f32 v2, v3  }
0x72: {  	v3 =	vld [tilespmem:s18+$0x5200]  }
0x73: {  	v2 =	vadd.f32 v4, v2  }
0x74: {  	v56 =	vld [tilespmem:s18+$0x5280]  }
0x75: {  	v2 =	vadd.f32 v5, v2  }
0x76: {  	v57 =	vld [tilespmem:s18+$0x5300]  }
0x77: {  	v2 =	vadd.f32 v3, v2  }
0x78: {  	v3 =	vld [tilespmem:s18+$0x5380]  }
0x79: {  	v2 =	vadd.f32 v56, v2  }
0x7a: {  	v58 =	vld [tilespmem:s18+$0x6400]  }
0x7b: {  	v2 =	vadd.f32 v57, v2  }
0x7c: {  	v59 =	vld [tilespmem:s18+$0x6480]  }
0x7d: {  	v2 =	vadd.f32 v3, v2  }
0x7e: {  	v3 =	vld [tilespmem:s18+$0x6500]  }
0x7f: {  	v2 =	vadd.f32 v58, v2  }
0x80: {  	v60 =	vld [tilespmem:s18+$0x6580]  }
0x81: {  	v2 =	vadd.f32 v59, v2  }
0x82: {  	v61 =	vld [tilespmem:s18+$0x6600]  }
0x83: {  	v2 =	vadd.f32 v3, v2  }
0x84: {  	v3 =	vld [tilespmem:s18+$0x6680]  }
0x85: {  	v2 =	vadd.f32 v60, v2  }
0x86: {  	v62 =	vld [tilespmem:s18+$0x6700]  }
0x87: {  	v2 =	vadd.f32 v61, v2  }
0x88: {  	v63 =	vld [tilespmem:s18+$0x6780]  }
0x89: {  	v2 =	vadd.f32 v3, v2;
	_ =	sdelay $0x1  }
0x8a: {  	v2 =	vadd.f32 v62, v2;
	_ =	sdelay $0x1  }
0x8b: {  	s2 =	sadd.s32 $0x1, s2;
	v2 =	vadd.f32 v63, v2  }
0x8c: {  	s17 =	sadd.s32 $0x10, s17;
	p0 =	sne.s32 s2, s7  }
.Ltmp3:
0x8d: {  	[tilespmem:s17+$0x0] =	vst v2;
	(pc) =	sbr.rel @p0 .LBB2_1-.Ltmp3, $4  }
0x8e: {  	[hbm4b:s6+s8] =	stream.strided.scatter [tilespmem:s16], [sflag:$0x1], $0x280, s15, s8, $0x38;
	[tilespmem:$0xA280] =	vst v63  }
0x8f: {  	_ =	swait.ge [sflag:s10], $0x280  }
0x90: {  	[sflag:s10] =	ssyncset.done $0x0  }
0x91: {  	[sflag:s10] =	ssyncadd.s32 $0xFFFFFD80  }
0x92: {  	_ =	sfence.sel $0x180000  }
0x93: {  	[bflag:$0x0] =	sbarrier.arrive $0xFFFF  }
0x94: {  	p0 =	sne.s32 s0, $0x0;
	_ =	strace $0x90000047  }
0x95: {  	s0 =	sadd.s32 @!p0 $0x100000, s1;
	[bflag:$0x2] =	sbarrier.arrive $0xFFFF  }
0x96: {  	[sflag:s0] =	ssyncadd.tile.s32 @!p0 $0x1;
	_ =	shalt  }
.Lfunc_end2:
_tile_overlayer_lowered:
.L_overlay_start_2:
0x97: {  	(tag) =	ssettag $0x2  }
0x98: {  	s0 =	rddreg [dreg:$0x0];
	s2 =	stileid.u32  }
0x99: {  	s1 =	rddreg [dreg:$0x1];
	p0 =	sne.s32 s2, $0x0  }
0x9a: {  	s3 =	rddreg [dreg:$0x2];
	[bflag:$0x3] =	sbarrier.arrive $0xFFFF;
	s2 =	simm.s32 @!p0 $0x1C01  }
0x9b: {  	[timem:s3], [sflag:s2] =	dma.local @!p0 [hbm:s0], s1  }
0x9c: {  	s0 =	simm.s32 @!p0 $0x1  }
0x9d: {  	_ =	swait.ge @!p0 [sflag:s0], s1  }
0x9e: {  	s1 =	ssub.s32 @!p0 $0x0, s1;
	[sflag:s0] =	ssyncset.done @!p0 $0x0  }
0x9f: {  	[sflag:s0] =	ssyncadd.s32 @!p0 s1  }
0xa0: {  	[bflag:$0x3] =	sbarrier.arrive $0xFFFF  }
0xa1: {  	_ =	shalt  }

</sc_bundles>
